<compile_context>
chip_gen: v7x
topology: tpu7x:2x2x1
jax: 0.10.2.dev20260603
libtpu: 0.0.44.dev20260713+nightly
codegen_flags: <defaults>
</compile_context>

<pallas_src>
import jax
import jax.numpy as jnp
from jax import lax
from jax.experimental import pallas as pl
from jax.experimental.pallas import tpu as pltpu
from jax.experimental.pallas import tpu_sc as plsc

F = 26
V = 100000
D = 32
B = 4096
L = 20
VP = 131072
RPF = VP * D // 128

NC = 2
NS = 16
NW = NC * NS
BPW = B // NW
C = 64
S = BPW // C
ROWS = C * L
NDMA = ROWS // 128
FH = F // 2
NCHUNK = FH * S

VBLK = 32768
TPF = 4


def _tp_body(x_ref, o_ref):
    x = x_ref[0]
    xx = jnp.concatenate(
        [x[:, q * (VBLK // 4):(q + 1) * (VBLK // 4)] for q in range(4)], axis=0
    )
    o_ref[0] = jnp.swapaxes(xx, 0, 1)


def _tc_flatten(tabT, f0):
    return pl.pallas_call(
        _tp_body,
        grid=(FH, TPF),
        in_specs=[pl.BlockSpec((1, D, VBLK), lambda f, vb: (f0 + f, 0, vb))],
        out_specs=pl.BlockSpec(
            (1, VBLK // 4, 128), lambda f, vb: (f, vb, 0)
        ),
        out_shape=jax.ShapeDtypeStruct((FH, RPF, 128), jnp.float32),
    )(tabT)


def _sc_body(idx_hbm, tab_hbm, out_hbm,
             idx_v0, idx_v1, rows_v0, rows_v1, out_v0, out_v1,
             isem0, isem1, gsem0, gsem1, osem0, osem1):
    idx_v = [idx_v0, idx_v1]
    rows_v = [rows_v0, rows_v1]
    out_v = [out_v0, out_v1]
    isem = [isem0, isem1]
    gsem = [gsem0, gsem1]
    osem = [osem0, osem1]

    wid = lax.axis_index("s") * NC + lax.axis_index("c")

    def cid_of(k):
        return (k // S) * (B // C) + wid * S + (k % S)

    def out_dst(k):
        b0 = wid * BPW + (k % S) * C
        return out_hbm.at[pl.ds(b0, C), k // S]

    def fire_idx(k, b):
        pltpu.async_copy(idx_hbm.at[cid_of(k)], idx_v[b], isem[b])

    def wait_idx(b):
        pltpu.make_async_copy(idx_hbm.at[0], idx_v[b], isem[b]).wait()

    def fire_gathers(b):
        for j in range(NDMA):
            pltpu.async_copy(
                tab_hbm.at[idx_v[b].at[j]],
                rows_v[b].at[pl.ds(j * 128, 128)],
                gsem[b],
            )

    def drain_gathers(b):
        for j in range(NDMA):
            pltpu.make_async_copy(
                tab_hbm.at[idx_v[b].at[j]],
                rows_v[b].at[pl.ds(j * 128, 128)],
                gsem[b],
            ).wait()

    def accumulate(b):
        @pl.loop(0, C)
        def _bag(i):
            r0 = i * L
            acc0 = rows_v[b][r0, pl.ds(0, 16)]
            acc1 = rows_v[b][r0, pl.ds(16, 16)]
            for l in range(1, L):
                acc0 = acc0 + rows_v[b][r0 + l, pl.ds(0, 16)]
                acc1 = acc1 + rows_v[b][r0 + l, pl.ds(16, 16)]
            out_v[b][i, pl.ds(0, 16)] = acc0
            out_v[b][i, pl.ds(16, 16)] = acc1

    pltpu.sync_copy(idx_hbm.at[cid_of(0)], idx_v[0])
    fire_gathers(0)
    fire_idx(1, 1)

    @pl.loop(0, NCHUNK, step=2)
    def _outer(g):
        for b in range(2):
            k = g + b
            drain_gathers(b)

            @pl.when(k + 2 < NCHUNK)
            def _():
                fire_idx(k + 2, b)

            @pl.when(k + 1 < NCHUNK)
            def _():
                wait_idx(1 - b)
                fire_gathers(1 - b)

            @pl.when(k >= 2)
            def _():
                pltpu.make_async_copy(out_v[b], out_dst(k - 2), osem[b]).wait()

            accumulate(b)
            pltpu.async_copy(out_v[b], out_dst(k), osem[b])

    pltpu.make_async_copy(out_v[0], out_dst(NCHUNK - 2), osem[0]).wait()
    pltpu.make_async_copy(out_v[1], out_dst(NCHUNK - 1), osem[1]).wait()


@jax.jit
def _sc_lookup(idx_chunks, tab_flat):
    mesh = plsc.VectorSubcoreMesh(core_axis_name="c", subcore_axis_name="s")
    return pl.kernel(
        _sc_body,
        out_type=jax.ShapeDtypeStruct((B, FH, D), jnp.float32),
        mesh=mesh,
        scratch_types=[
            pltpu.VMEM((NDMA, 128), jnp.int32),
            pltpu.VMEM((NDMA, 128), jnp.int32),
            pltpu.VMEM((ROWS, D), jnp.float32),
            pltpu.VMEM((ROWS, D), jnp.float32),
            pltpu.VMEM((C, D), jnp.float32),
            pltpu.VMEM((C, D), jnp.float32),
            pltpu.SemaphoreType.DMA,
            pltpu.SemaphoreType.DMA,
            pltpu.SemaphoreType.DMA,
            pltpu.SemaphoreType.DMA,
            pltpu.SemaphoreType.DMA,
            pltpu.SemaphoreType.DMA,
        ],
        compiler_params=pltpu.CompilerParams(use_tc_tiling_on_sc=False),
    )(idx_chunks, tab_flat)


def kernel(indices, tables):
    idx0 = indices.astype(jnp.int32)
    p = idx0 % VBLK
    fl = jnp.arange(F, dtype=jnp.int32)[:, None, None] % FH
    idx = (
        (fl * TPF + idx0 // VBLK) * VBLK
        + (p % (VBLK // 4)) * 4
        + p // (VBLK // 4)
    )
    idx128 = jax.lax.optimization_barrier(idx.reshape(F * B * L // 128, 128))
    idx_chunks = idx128.reshape(
        2, FH * B * L // (NDMA * 128), NDMA, 128
    )
    tabT = jnp.transpose(tables, (0, 2, 1))
    halves = []
    for h in range(2):
        tab_h = _tc_flatten(tabT, h * FH).reshape(FH * VP, D)
        halves.append(_sc_lookup(idx_chunks[h], tab_h))
    return jnp.concatenate(halves, axis=1)

# --- scband reference (transcript-rebuilt; emitter-appended) ---
"""Pipeline reference for scband-sparse-arch-16432544874887 (READ-ONLY COPY).

The authoritative reference and input builder live on the scoring server;
editing this copy changes nothing except your own understanding.
"""

import jax, jax.numpy as jnp
import numpy as np

F = 26
V = 100000
D = 32
B = 4096
L = 20


def setup_inputs(seed: int = 0) -> dict:
    key = jax.random.key(seed)
    k_idx, k_tab = jax.random.split(key)
    indices = jax.random.randint(k_idx, (F, B, L), 0, V, dtype=jnp.int64)
    # learned parameters: one embedding table per sparse feature, stacked [F, V, D]
    tables = jax.random.normal(k_tab, (F, V, D), dtype=jnp.float32) * 0.01
    return {"indices": indices, "tables": tables}


def reference(indices, tables):
    # EmbeddingBagCollection with sum pooling over fixed-length bags (L per feature).
    # gather per-table then pool: [F, B, L, D] -> sum over L -> [F, B, D]
    gathered = jax.vmap(lambda t, idx: jnp.take(t, idx, axis=0))(tables, indices)
    pooled = gathered.sum(axis=2)  # [F, B, D]
    # SparseArch concatenates per-feature pooled embeddings then reshapes to [B, F, D]
    out = jnp.transpose(pooled, (1, 0, 2))  # [B, F, D]
    return out

if __name__ == "__main__":
    import jax
    _d = setup_inputs()
    print(jax.jit(kernel)(*tuple(_d.values())))

</pallas_src>

<mosaic_0001>
#map = affine_map<(d0, d1) -> (0, 0, 0)>
#map1 = affine_map<(d0, d1) -> (0, 0)>
module attributes {stable_mosaic.version = 14 : i64} {
  func.func @_sc_body(%arg0: i32, %arg1: i32, %arg2: memref<832x10x128xi32, #tpu.memory_space<hbm>>, %arg3: memref<1703936x32xf32, #tpu.memory_space<hbm>>, %arg4: memref<4096x13x32xf32, #tpu.memory_space<hbm>>, %arg5: memref<10x128xi32, #tpu.memory_space<vmem>>, %arg6: memref<10x128xi32, #tpu.memory_space<vmem>>, %arg7: memref<1280x32xf32, #tpu.memory_space<vmem>>, %arg8: memref<1280x32xf32, #tpu.memory_space<vmem>>, %arg9: memref<64x32xf32, #tpu.memory_space<vmem>>, %arg10: memref<64x32xf32, #tpu.memory_space<vmem>>, %arg11: memref<!tpu.dma_semaphore, #tpu.memory_space<semaphore_mem>>, %arg12: memref<!tpu.dma_semaphore, #tpu.memory_space<semaphore_mem>>, %arg13: memref<!tpu.dma_semaphore, #tpu.memory_space<semaphore_mem>>, %arg14: memref<!tpu.dma_semaphore, #tpu.memory_space<semaphore_mem>>, %arg15: memref<!tpu.dma_semaphore, #tpu.memory_space<semaphore_mem>>, %arg16: memref<!tpu.dma_semaphore, #tpu.memory_space<semaphore_mem>>) attributes {dimension_semantics = [#tpu.dimension_semantics<core_parallel>, #tpu.dimension_semantics<subcore_parallel>], iteration_bounds = array<i64: 2, 16>, scalar_prefetch = 0 : i64, scratch_operands = 12 : i64, tpu.core_type = #tpu.core_type<sc_vector_subcore>, window_params = [{transform_indices = #map}, {transform_indices = #map1}, {transform_indices = #map}]} {
    %mul3A = arith.constant 2 : i32
    %mul3A_0 = arith.muli %arg1, %mul3A : i32
    %add3A = arith.addi %mul3A_0, %arg0 : i32
    %mul3A_1 = arith.constant 2 : i32
    %mul3A_2 = arith.muli %add3A, %mul3A_1 : i32
    %add3A_3 = arith.constant 0 : i32
    %add3A_4 = arith.addi %add3A_3, %mul3A_2 : i32
    %add3A_5 = arith.constant 0 : i32
    %add3A_6 = arith.addi %add3A_4, %add3A_5 : i32
    "tpu.region"() ({
      %run_scoped3A = tpu.sem_alloc : memref<!tpu.dma_semaphore, #tpu.memory_space<semaphore_mem>>
      %dma_start3A_145 = arith.constant 0 : i32
      %dma_start3A_146 = arith.constant 0 : i32
      %dma_start3A_147 = tpu.memref_slice %arg2[%add3A_6, %dma_start3A_145, %dma_start3A_146] : memref<832x10x128xi32, #tpu.memory_space<hbm>> -> memref<1x10x128xi32, #tpu.memory_space<hbm>>
      %dma_start3A_148 = tpu.memref_squeeze %dma_start3A_147 : memref<1x10x128xi32, #tpu.memory_space<hbm>> -> memref<10x128xi32, #tpu.memory_space<hbm>>
      %dma_start3A_149 = arith.constant 0 : i32
      %dma_start3A_150 = arith.constant 0 : i32
      %dma_start3A_151 = tpu.memref_slice %arg2[%add3A_6, %dma_start3A_149, %dma_start3A_150] : memref<832x10x128xi32, #tpu.memory_space<hbm>> -> memref<1x10x128xi32, #tpu.memory_space<hbm>>
      %dma_start3A_152 = tpu.memref_squeeze %dma_start3A_151 : memref<1x10x128xi32, #tpu.memory_space<hbm>> -> memref<10x128xi32, #tpu.memory_space<hbm>>
      tpu.enqueue_dma source(%dma_start3A_152 : memref<10x128xi32, #tpu.memory_space<hbm>>) target(%arg5 : memref<10x128xi32, #tpu.memory_space<vmem>>) target_semaphore(%run_scoped3A : memref<!tpu.dma_semaphore, #tpu.memory_space<semaphore_mem>>)
      %dma_wait3A_153 = arith.constant 0 : i32
      %dma_wait3A_154 = arith.constant 0 : i32
      %dma_wait3A_155 = tpu.memref_slice %arg2[%add3A_6, %dma_wait3A_153, %dma_wait3A_154] : memref<832x10x128xi32, #tpu.memory_space<hbm>> -> memref<1x10x128xi32, #tpu.memory_space<hbm>>
      %dma_wait3A_156 = tpu.memref_squeeze %dma_wait3A_155 : memref<1x10x128xi32, #tpu.memory_space<hbm>> -> memref<10x128xi32, #tpu.memory_space<hbm>>
      %dma_wait3A_157 = arith.constant 0 : i32
      %dma_wait3A_158 = arith.constant 0 : i32
      %dma_wait3A_159 = tpu.memref_slice %arg2[%add3A_6, %dma_wait3A_157, %dma_wait3A_158] : memref<832x10x128xi32, #tpu.memory_space<hbm>> -> memref<1x10x128xi32, #tpu.memory_space<hbm>>
      %dma_wait3A_160 = tpu.memref_squeeze %dma_wait3A_159 : memref<1x10x128xi32, #tpu.memory_space<hbm>> -> memref<10x128xi32, #tpu.memory_space<hbm>>
      tpu.wait_dma2 semaphore(%run_scoped3A : memref<!tpu.dma_semaphore, #tpu.memory_space<semaphore_mem>>) src(%dma_wait3A_160 : memref<10x128xi32, #tpu.memory_space<hbm>>) dst(%arg5 : memref<10x128xi32, #tpu.memory_space<vmem>>)
      tpu.yield
    }) : () -> ()
    %dma_start3A = arith.constant 0 : i32
    %dma_start3A_7 = arith.constant 0 : i32
    %dma_start3A_8 = arith.constant 0 : i32
    %dma_start3A_9 = tpu.memref_slice %arg7[%dma_start3A_7, %dma_start3A_8] : memref<1280x32xf32, #tpu.memory_space<vmem>> -> memref<128x32xf32, #tpu.memory_space<vmem>>
    %dma_start3A_10 = arith.constant 0 : i32
    %dma_start3A_11 = tpu.memref_slice %arg5[%dma_start3A, %dma_start3A_10] : memref<10x128xi32, #tpu.memory_space<vmem>> -> memref<1x128xi32, #tpu.memory_space<vmem>>
    %dma_start3A_12 = tpu.memref_squeeze %dma_start3A_11 : memref<1x128xi32, #tpu.memory_space<vmem>> -> memref<128xi32, #tpu.memory_space<vmem>>
    %dma_start3A_13 = arith.constant 0 : i32
    %dma_start3A_14 = arith.constant 0 : i32
    %dma_start3A_15 = tpu.memref_slice %arg3[%dma_start3A_13, %dma_start3A_14] : memref<1703936x32xf32, #tpu.memory_space<hbm>> -> memref<1703936x32xf32, #tpu.memory_space<hbm>>
    tpu.enqueue_indirect_dma source(%dma_start3A_15 : memref<1703936x32xf32, #tpu.memory_space<hbm>>) target(%dma_start3A_9 : memref<128x32xf32, #tpu.memory_space<vmem>>) offsets(%dma_start3A_12 : memref<128xi32, #tpu.memory_space<vmem>>) semaphore(%arg13 : memref<!tpu.dma_semaphore, #tpu.memory_space<semaphore_mem>>)
    %dma_start3A_16 = arith.constant 1 : i32
    %dma_start3A_17 = arith.constant 128 : i32
    %dma_start3A_18 = arith.constant 0 : i32
    %dma_start3A_19 = tpu.memref_slice %arg7[%dma_start3A_17, %dma_start3A_18] : memref<1280x32xf32, #tpu.memory_space<vmem>> -> memref<128x32xf32, #tpu.memory_space<vmem>>
    %dma_start3A_20 = arith.constant 0 : i32
    %dma_start3A_21 = tpu.memref_slice %arg5[%dma_start3A_16, %dma_start3A_20] : memref<10x128xi32, #tpu.memory_space<vmem>> -> memref<1x128xi32, #tpu.memory_space<vmem>>
    %dma_start3A_22 = tpu.memref_squeeze %dma_start3A_21 : memref<1x128xi32, #tpu.memory_space<vmem>> -> memref<128xi32, #tpu.memory_space<vmem>>
    %dma_start3A_23 = arith.constant 0 : i32
    %dma_start3A_24 = arith.constant 0 : i32
    %dma_start3A_25 = tpu.memref_slice %arg3[%dma_start3A_23, %dma_start3A_24] : memref<1703936x32xf32, #tpu.memory_space<hbm>> -> memref<1703936x32xf32, #tpu.memory_space<hbm>>
    tpu.enqueue_indirect_dma source(%dma_start3A_25 : memref<1703936x32xf32, #tpu.memory_space<hbm>>) target(%dma_start3A_19 : memref<128x32xf32, #tpu.memory_space<vmem>>) offsets(%dma_start3A_22 : memref<128xi32, #tpu.memory_space<vmem>>) semaphore(%arg13 : memref<!tpu.dma_semaphore, #tpu.memory_space<semaphore_mem>>)
    %dma_start3A_26 = arith.constant 2 : i32
    %dma_start3A_27 = arith.constant 256 : i32
    %dma_start3A_28 = arith.constant 0 : i32
    %dma_start3A_29 = tpu.memref_slice %arg7[%dma_start3A_27, %dma_start3A_28] : memref<1280x32xf32, #tpu.memory_space<vmem>> -> memref<128x32xf32, #tpu.memory_space<vmem>>
    %dma_start3A_30 = arith.constant 0 : i32
    %dma_start3A_31 = tpu.memref_slice %arg5[%dma_start3A_26, %dma_start3A_30] : memref<10x128xi32, #tpu.memory_space<vmem>> -> memref<1x128xi32, #tpu.memory_space<vmem>>
    %dma_start3A_32 = tpu.memref_squeeze %dma_start3A_31 : memref<1x128xi32, #tpu.memory_space<vmem>> -> memref<128xi32, #tpu.memory_space<vmem>>
    %dma_start3A_33 = arith.constant 0 : i32
    %dma_start3A_34 = arith.constant 0 : i32
    %dma_start3A_35 = tpu.memref_slice %arg3[%dma_start3A_33, %dma_start3A_34] : memref<1703936x32xf32, #tpu.memory_space<hbm>> -> memref<1703936x32xf32, #tpu.memory_space<hbm>>
    tpu.enqueue_indirect_dma source(%dma_start3A_35 : memref<1703936x32xf32, #tpu.memory_space<hbm>>) target(%dma_start3A_29 : memref<128x32xf32, #tpu.memory_space<vmem>>) offsets(%dma_start3A_32 : memref<128xi32, #tpu.memory_space<vmem>>) semaphore(%arg13 : memref<!tpu.dma_semaphore, #tpu.memory_space<semaphore_mem>>)
    %dma_start3A_36 = arith.constant 3 : i32
    %dma_start3A_37 = arith.constant 384 : i32
    %dma_start3A_38 = arith.constant 0 : i32
    %dma_start3A_39 = tpu.memref_slice %arg7[%dma_start3A_37, %dma_start3A_38] : memref<1280x32xf32, #tpu.memory_space<vmem>> -> memref<128x32xf32, #tpu.memory_space<vmem>>
    %dma_start3A_40 = arith.constant 0 : i32
    %dma_start3A_41 = tpu.memref_slice %arg5[%dma_start3A_36, %dma_start3A_40] : memref<10x128xi32, #tpu.memory_space<vmem>> -> memref<1x128xi32, #tpu.memory_space<vmem>>
    %dma_start3A_42 = tpu.memref_squeeze %dma_start3A_41 : memref<1x128xi32, #tpu.memory_space<vmem>> -> memref<128xi32, #tpu.memory_space<vmem>>
    %dma_start3A_43 = arith.constant 0 : i32
    %dma_start3A_44 = arith.constant 0 : i32
    %dma_start3A_45 = tpu.memref_slice %arg3[%dma_start3A_43, %dma_start3A_44] : memref<1703936x32xf32, #tpu.memory_space<hbm>> -> memref<1703936x32xf32, #tpu.memory_space<hbm>>
    tpu.enqueue_indirect_dma source(%dma_start3A_45 : memref<1703936x32xf32, #tpu.memory_space<hbm>>) target(%dma_start3A_39 : memref<128x32xf32, #tpu.memory_space<vmem>>) offsets(%dma_start3A_42 : memref<128xi32, #tpu.memory_space<vmem>>) semaphore(%arg13 : memref<!tpu.dma_semaphore, #tpu.memory_space<semaphore_mem>>)
    %dma_start3A_46 = arith.constant 4 : i32
    %dma_start3A_47 = arith.constant 512 : i32
    %dma_start3A_48 = arith.constant 0 : i32
    %dma_start3A_49 = tpu.memref_slice %arg7[%dma_start3A_47, %dma_start3A_48] : memref<1280x32xf32, #tpu.memory_space<vmem>> -> memref<128x32xf32, #tpu.memory_space<vmem>>
    %dma_start3A_50 = arith.constant 0 : i32
    %dma_start3A_51 = tpu.memref_slice %arg5[%dma_start3A_46, %dma_start3A_50] : memref<10x128xi32, #tpu.memory_space<vmem>> -> memref<1x128xi32, #tpu.memory_space<vmem>>
    %dma_start3A_52 = tpu.memref_squeeze %dma_start3A_51 : memref<1x128xi32, #tpu.memory_space<vmem>> -> memref<128xi32, #tpu.memory_space<vmem>>
    %dma_start3A_53 = arith.constant 0 : i32
    %dma_start3A_54 = arith.constant 0 : i32
    %dma_start3A_55 = tpu.memref_slice %arg3[%dma_start3A_53, %dma_start3A_54] : memref<1703936x32xf32, #tpu.memory_space<hbm>> -> memref<1703936x32xf32, #tpu.memory_space<hbm>>
    tpu.enqueue_indirect_dma source(%dma_start3A_55 : memref<1703936x32xf32, #tpu.memory_space<hbm>>) target(%dma_start3A_49 : memref<128x32xf32, #tpu.memory_space<vmem>>) offsets(%dma_start3A_52 : memref<128xi32, #tpu.memory_space<vmem>>) semaphore(%arg13 : memref<!tpu.dma_semaphore, #tpu.memory_space<semaphore_mem>>)
    %dma_start3A_56 = arith.constant 5 : i32
    %dma_start3A_57 = arith.constant 640 : i32
    %dma_start3A_58 = arith.constant 0 : i32
    %dma_start3A_59 = tpu.memref_slice %arg7[%dma_start3A_57, %dma_start3A_58] : memref<1280x32xf32, #tpu.memory_space<vmem>> -> memref<128x32xf32, #tpu.memory_space<vmem>>
    %dma_start3A_60 = arith.constant 0 : i32
    %dma_start3A_61 = tpu.memref_slice %arg5[%dma_start3A_56, %dma_start3A_60] : memref<10x128xi32, #tpu.memory_space<vmem>> -> memref<1x128xi32, #tpu.memory_space<vmem>>
    %dma_start3A_62 = tpu.memref_squeeze %dma_start3A_61 : memref<1x128xi32, #tpu.memory_space<vmem>> -> memref<128xi32, #tpu.memory_space<vmem>>
    %dma_start3A_63 = arith.constant 0 : i32
    %dma_start3A_64 = arith.constant 0 : i32
    %dma_start3A_65 = tpu.memref_slice %arg3[%dma_start3A_63, %dma_start3A_64] : memref<1703936x32xf32, #tpu.memory_space<hbm>> -> memref<1703936x32xf32, #tpu.memory_space<hbm>>
    tpu.enqueue_indirect_dma source(%dma_start3A_65 : memref<1703936x32xf32, #tpu.memory_space<hbm>>) target(%dma_start3A_59 : memref<128x32xf32, #tpu.memory_space<vmem>>) offsets(%dma_start3A_62 : memref<128xi32, #tpu.memory_space<vmem>>) semaphore(%arg13 : memref<!tpu.dma_semaphore, #tpu.memory_space<semaphore_mem>>)
    %dma_start3A_66 = arith.constant 6 : i32
    %dma_start3A_67 = arith.constant 768 : i32
    %dma_start3A_68 = arith.constant 0 : i32
    %dma_start3A_69 = tpu.memref_slice %arg7[%dma_start3A_67, %dma_start3A_68] : memref<1280x32xf32, #tpu.memory_space<vmem>> -> memref<128x32xf32, #tpu.memory_space<vmem>>
    %dma_start3A_70 = arith.constant 0 : i32
    %dma_start3A_71 = tpu.memref_slice %arg5[%dma_start3A_66, %dma_start3A_70] : memref<10x128xi32, #tpu.memory_space<vmem>> -> memref<1x128xi32, #tpu.memory_space<vmem>>
    %dma_start3A_72 = tpu.memref_squeeze %dma_start3A_71 : memref<1x128xi32, #tpu.memory_space<vmem>> -> memref<128xi32, #tpu.memory_space<vmem>>
    %dma_start3A_73 = arith.constant 0 : i32
    %dma_start3A_74 = arith.constant 0 : i32
    %dma_start3A_75 = tpu.memref_slice %arg3[%dma_start3A_73, %dma_start3A_74] : memref<1703936x32xf32, #tpu.memory_space<hbm>> -> memref<1703936x32xf32, #tpu.memory_space<hbm>>
    tpu.enqueue_indirect_dma source(%dma_start3A_75 : memref<1703936x32xf32, #tpu.memory_space<hbm>>) target(%dma_start3A_69 : memref<128x32xf32, #tpu.memory_space<vmem>>) offsets(%dma_start3A_72 : memref<128xi32, #tpu.memory_space<vmem>>) semaphore(%arg13 : memref<!tpu.dma_semaphore, #tpu.memory_space<semaphore_mem>>)
    %dma_start3A_76 = arith.constant 7 : i32
    %dma_start3A_77 = arith.constant 896 : i32
    %dma_start3A_78 = arith.constant 0 : i32
    %dma_start3A_79 = tpu.memref_slice %arg7[%dma_start3A_77, %dma_start3A_78] : memref<1280x32xf32, #tpu.memory_space<vmem>> -> memref<128x32xf32, #tpu.memory_space<vmem>>
    %dma_start3A_80 = arith.constant 0 : i32
    %dma_start3A_81 = tpu.memref_slice %arg5[%dma_start3A_76, %dma_start3A_80] : memref<10x128xi32, #tpu.memory_space<vmem>> -> memref<1x128xi32, #tpu.memory_space<vmem>>
    %dma_start3A_82 = tpu.memref_squeeze %dma_start3A_81 : memref<1x128xi32, #tpu.memory_space<vmem>> -> memref<128xi32, #tpu.memory_space<vmem>>
    %dma_start3A_83 = arith.constant 0 : i32
    %dma_start3A_84 = arith.constant 0 : i32
    %dma_start3A_85 = tpu.memref_slice %arg3[%dma_start3A_83, %dma_start3A_84] : memref<1703936x32xf32, #tpu.memory_space<hbm>> -> memref<1703936x32xf32, #tpu.memory_space<hbm>>
    tpu.enqueue_indirect_dma source(%dma_start3A_85 : memref<1703936x32xf32, #tpu.memory_space<hbm>>) target(%dma_start3A_79 : memref<128x32xf32, #tpu.memory_space<vmem>>) offsets(%dma_start3A_82 : memref<128xi32, #tpu.memory_space<vmem>>) semaphore(%arg13 : memref<!tpu.dma_semaphore, #tpu.memory_space<semaphore_mem>>)
    %dma_start3A_86 = arith.constant 8 : i32
    %dma_start3A_87 = arith.constant 1024 : i32
    %dma_start3A_88 = arith.constant 0 : i32
    %dma_start3A_89 = tpu.memref_slice %arg7[%dma_start3A_87, %dma_start3A_88] : memref<1280x32xf32, #tpu.memory_space<vmem>> -> memref<128x32xf32, #tpu.memory_space<vmem>>
    %dma_start3A_90 = arith.constant 0 : i32
    %dma_start3A_91 = tpu.memref_slice %arg5[%dma_start3A_86, %dma_start3A_90] : memref<10x128xi32, #tpu.memory_space<vmem>> -> memref<1x128xi32, #tpu.memory_space<vmem>>
    %dma_start3A_92 = tpu.memref_squeeze %dma_start3A_91 : memref<1x128xi32, #tpu.memory_space<vmem>> -> memref<128xi32, #tpu.memory_space<vmem>>
    %dma_start3A_93 = arith.constant 0 : i32
    %dma_start3A_94 = arith.constant 0 : i32
    %dma_start3A_95 = tpu.memref_slice %arg3[%dma_start3A_93, %dma_start3A_94] : memref<1703936x32xf32, #tpu.memory_space<hbm>> -> memref<1703936x32xf32, #tpu.memory_space<hbm>>
    tpu.enqueue_indirect_dma source(%dma_start3A_95 : memref<1703936x32xf32, #tpu.memory_space<hbm>>) target(%dma_start3A_89 : memref<128x32xf32, #tpu.memory_space<vmem>>) offsets(%dma_start3A_92 : memref<128xi32, #tpu.memory_space<vmem>>) semaphore(%arg13 : memref<!tpu.dma_semaphore, #tpu.memory_space<semaphore_mem>>)
    %dma_start3A_96 = arith.constant 9 : i32
    %dma_start3A_97 = arith.constant 1152 : i32
    %dma_start3A_98 = arith.constant 0 : i32
    %dma_start3A_99 = tpu.memref_slice %arg7[%dma_start3A_97, %dma_start3A_98] : memref<1280x32xf32, #tpu.memory_space<vmem>> -> memref<128x32xf32, #tpu.memory_space<vmem>>
    %dma_start3A_100 = arith.constant 0 : i32
    %dma_start3A_101 = tpu.memref_slice %arg5[%dma_start3A_96, %dma_start3A_100] : memref<10x128xi32, #tpu.memory_space<vmem>> -> memref<1x128xi32, #tpu.memory_space<vmem>>
    %dma_start3A_102 = tpu.memref_squeeze %dma_start3A_101 : memref<1x128xi32, #tpu.memory_space<vmem>> -> memref<128xi32, #tpu.memory_space<vmem>>
    %dma_start3A_103 = arith.constant 0 : i32
    %dma_start3A_104 = arith.constant 0 : i32
    %dma_start3A_105 = tpu.memref_slice %arg3[%dma_start3A_103, %dma_start3A_104] : memref<1703936x32xf32, #tpu.memory_space<hbm>> -> memref<1703936x32xf32, #tpu.memory_space<hbm>>
    tpu.enqueue_indirect_dma source(%dma_start3A_105 : memref<1703936x32xf32, #tpu.memory_space<hbm>>) target(%dma_start3A_99 : memref<128x32xf32, #tpu.memory_space<vmem>>) offsets(%dma_start3A_102 : memref<128xi32, #tpu.memory_space<vmem>>) semaphore(%arg13 : memref<!tpu.dma_semaphore, #tpu.memory_space<semaphore_mem>>)
    %mul3A_106 = arith.constant 2 : i32
    %mul3A_107 = arith.muli %add3A, %mul3A_106 : i32
    %add3A_108 = arith.constant 0 : i32
    %add3A_109 = arith.addi %add3A_108, %mul3A_107 : i32
    %add3A_110 = arith.constant 1 : i32
    %add3A_111 = arith.addi %add3A_109, %add3A_110 : i32
    %dma_start3A_112 = arith.constant 0 : i32
    %dma_start3A_113 = arith.constant 0 : i32
    %dma_start3A_114 = tpu.memref_slice %arg2[%add3A_111, %dma_start3A_112, %dma_start3A_113] : memref<832x10x128xi32, #tpu.memory_space<hbm>> -> memref<1x10x128xi32, #tpu.memory_space<hbm>>
    %dma_start3A_115 = tpu.memref_squeeze %dma_start3A_114 : memref<1x10x128xi32, #tpu.memory_space<hbm>> -> memref<10x128xi32, #tpu.memory_space<hbm>>
    %dma_start3A_116 = arith.constant 0 : i32
    %dma_start3A_117 = arith.constant 0 : i32
    %dma_start3A_118 = tpu.memref_slice %arg2[%add3A_111, %dma_start3A_116, %dma_start3A_117] : memref<832x10x128xi32, #tpu.memory_space<hbm>> -> memref<1x10x128xi32, #tpu.memory_space<hbm>>
    %dma_start3A_119 = tpu.memref_squeeze %dma_start3A_118 : memref<1x10x128xi32, #tpu.memory_space<hbm>> -> memref<10x128xi32, #tpu.memory_space<hbm>>
    tpu.enqueue_dma source(%dma_start3A_119 : memref<10x128xi32, #tpu.memory_space<hbm>>) target(%arg6 : memref<10x128xi32, #tpu.memory_space<vmem>>) target_semaphore(%arg12 : memref<!tpu.dma_semaphore, #tpu.memory_space<semaphore_mem>>)
    %scan3A = arith.constant 0 : i32
    %scan3A_120 = arith.constant 13 : i32
    %scan3A_121 = arith.addi %scan3A, %scan3A_120 : i32
    %scan3A_122 = arith.constant 1 : i32
    scf.for %scan3A_145 = %scan3A to %scan3A_121 step %scan3A_122  : i32 {
      %mul3A_146 = arith.constant 2 : i32
      %mul3A_147 = arith.muli %scan3A_145, %mul3A_146 : i32
      %add3A_148 = arith.constant 0 : i32
      %add3A_149 = arith.addi %add3A_148, %mul3A_147 : i32
      %add3A_150 = arith.constant 0 : i32
      %add3A_151 = arith.addi %add3A_149, %add3A_150 : i32
      %dma_wait3A_152 = arith.constant 0 : i32
      %dma_wait3A_153 = arith.constant 0 : i32
      %dma_wait3A_154 = arith.constant 0 : i32
      %dma_wait3A_155 = tpu.memref_slice %arg7[%dma_wait3A_153, %dma_wait3A_154] : memref<1280x32xf32, #tpu.memory_space<vmem>> -> memref<128x32xf32, #tpu.memory_space<vmem>>
      %dma_wait3A_156 = arith.constant 0 : i32
      %dma_wait3A_157 = tpu.memref_slice %arg5[%dma_wait3A_152, %dma_wait3A_156] : memref<10x128xi32, #tpu.memory_space<vmem>> -> memref<1x128xi32, #tpu.memory_space<vmem>>
      %dma_wait3A_158 = tpu.memref_squeeze %dma_wait3A_157 : memref<1x128xi32, #tpu.memory_space<vmem>> -> memref<128xi32, #tpu.memory_space<vmem>>
      %dma_wait3A_159 = arith.constant 0 : i32
      %dma_wait3A_160 = arith.constant 0 : i32
      %dma_wait3A_161 = tpu.memref_slice %arg3[%dma_wait3A_159, %dma_wait3A_160] : memref<1703936x32xf32, #tpu.memory_space<hbm>> -> memref<1703936x32xf32, #tpu.memory_space<hbm>>
      tpu.wait_indirect_dma semaphore(%arg13 : memref<!tpu.dma_semaphore, #tpu.memory_space<semaphore_mem>>) src(%dma_wait3A_161 : memref<1703936x32xf32, #tpu.memory_space<hbm>>) dst(%dma_wait3A_155 : memref<128x32xf32, #tpu.memory_space<vmem>>)
      %dma_wait3A_162 = arith.constant 1 : i32
      %dma_wait3A_163 = arith.constant 128 : i32
      %dma_wait3A_164 = arith.constant 0 : i32
      %dma_wait3A_165 = tpu.memref_slice %arg7[%dma_wait3A_163, %dma_wait3A_164] : memref<1280x32xf32, #tpu.memory_space<vmem>> -> memref<128x32xf32, #tpu.memory_space<vmem>>
      %dma_wait3A_166 = arith.constant 0 : i32
      %dma_wait3A_167 = tpu.memref_slice %arg5[%dma_wait3A_162, %dma_wait3A_166] : memref<10x128xi32, #tpu.memory_space<vmem>> -> memref<1x128xi32, #tpu.memory_space<vmem>>
      %dma_wait3A_168 = tpu.memref_squeeze %dma_wait3A_167 : memref<1x128xi32, #tpu.memory_space<vmem>> -> memref<128xi32, #tpu.memory_space<vmem>>
      %dma_wait3A_169 = arith.constant 0 : i32
      %dma_wait3A_170 = arith.constant 0 : i32
      %dma_wait3A_171 = tpu.memref_slice %arg3[%dma_wait3A_169, %dma_wait3A_170] : memref<1703936x32xf32, #tpu.memory_space<hbm>> -> memref<1703936x32xf32, #tpu.memory_space<hbm>>
      tpu.wait_indirect_dma semaphore(%arg13 : memref<!tpu.dma_semaphore, #tpu.memory_space<semaphore_mem>>) src(%dma_wait3A_171 : memref<1703936x32xf32, #tpu.memory_space<hbm>>) dst(%dma_wait3A_165 : memref<128x32xf32, #tpu.memory_space<vmem>>)
      %dma_wait3A_172 = arith.constant 2 : i32
      %dma_wait3A_173 = arith.constant 256 : i32
      %dma_wait3A_174 = arith.constant 0 : i32
      %dma_wait3A_175 = tpu.memref_slice %arg7[%dma_wait3A_173, %dma_wait3A_174] : memref<1280x32xf32, #tpu.memory_space<vmem>> -> memref<128x32xf32, #tpu.memory_space<vmem>>
      %dma_wait3A_176 = arith.constant 0 : i32
      %dma_wait3A_177 = tpu.memref_slice %arg5[%dma_wait3A_172, %dma_wait3A_176] : memref<10x128xi32, #tpu.memory_space<vmem>> -> memref<1x128xi32, #tpu.memory_space<vmem>>
      %dma_wait3A_178 = tpu.memref_squeeze %dma_wait3A_177 : memref<1x128xi32, #tpu.memory_space<vmem>> -> memref<128xi32, #tpu.memory_space<vmem>>
      %dma_wait3A_179 = arith.constant 0 : i32
      %dma_wait3A_180 = arith.constant 0 : i32
      %dma_wait3A_181 = tpu.memref_slice %arg3[%dma_wait3A_179, %dma_wait3A_180] : memref<1703936x32xf32, #tpu.memory_space<hbm>> -> memref<1703936x32xf32, #tpu.memory_space<hbm>>
      tpu.wait_indirect_dma semaphore(%arg13 : memref<!tpu.dma_semaphore, #tpu.memory_space<semaphore_mem>>) src(%dma_wait3A_181 : memref<1703936x32xf32, #tpu.memory_space<hbm>>) dst(%dma_wait3A_175 : memref<128x32xf32, #tpu.memory_space<vmem>>)
      %dma_wait3A_182 = arith.constant 3 : i32
      %dma_wait3A_183 = arith.constant 384 : i32
      %dma_wait3A_184 = arith.constant 0 : i32
      %dma_wait3A_185 = tpu.memref_slice %arg7[%dma_wait3A_183, %dma_wait3A_184] : memref<1280x32xf32, #tpu.memory_space<vmem>> -> memref<128x32xf32, #tpu.memory_space<vmem>>
      %dma_wait3A_186 = arith.constant 0 : i32
      %dma_wait3A_187 = tpu.memref_slice %arg5[%dma_wait3A_182, %dma_wait3A_186] : memref<10x128xi32, #tpu.memory_space<vmem>> -> memref<1x128xi32, #tpu.memory_space<vmem>>
      %dma_wait3A_188 = tpu.memref_squeeze %dma_wait3A_187 : memref<1x128xi32, #tpu.memory_space<vmem>> -> memref<128xi32, #tpu.memory_space<vmem>>
      %dma_wait3A_189 = arith.constant 0 : i32
      %dma_wait3A_190 = arith.constant 0 : i32
      %dma_wait3A_191 = tpu.memref_slice %arg3[%dma_wait3A_189, %dma_wait3A_190] : memref<1703936x32xf32, #tpu.memory_space<hbm>> -> memref<1703936x32xf32, #tpu.memory_space<hbm>>
      tpu.wait_indirect_dma semaphore(%arg13 : memref<!tpu.dma_semaphore, #tpu.memory_space<semaphore_mem>>) src(%dma_wait3A_191 : memref<1703936x32xf32, #tpu.memory_space<hbm>>) dst(%dma_wait3A_185 : memref<128x32xf32, #tpu.memory_space<vmem>>)
      %dma_wait3A_192 = arith.constant 4 : i32
      %dma_wait3A_193 = arith.constant 512 : i32
      %dma_wait3A_194 = arith.constant 0 : i32
      %dma_wait3A_195 = tpu.memref_slice %arg7[%dma_wait3A_193, %dma_wait3A_194] : memref<1280x32xf32, #tpu.memory_space<vmem>> -> memref<128x32xf32, #tpu.memory_space<vmem>>
      %dma_wait3A_196 = arith.constant 0 : i32
      %dma_wait3A_197 = tpu.memref_slice %arg5[%dma_wait3A_192, %dma_wait3A_196] : memref<10x128xi32, #tpu.memory_space<vmem>> -> memref<1x128xi32, #tpu.memory_space<vmem>>
      %dma_wait3A_198 = tpu.memref_squeeze %dma_wait3A_197 : memref<1x128xi32, #tpu.memory_space<vmem>> -> memref<128xi32, #tpu.memory_space<vmem>>
      %dma_wait3A_199 = arith.constant 0 : i32
      %dma_wait3A_200 = arith.constant 0 : i32
      %dma_wait3A_201 = tpu.memref_slice %arg3[%dma_wait3A_199, %dma_wait3A_200] : memref<1703936x32xf32, #tpu.memory_space<hbm>> -> memref<1703936x32xf32, #tpu.memory_space<hbm>>
      tpu.wait_indirect_dma semaphore(%arg13 : memref<!tpu.dma_semaphore, #tpu.memory_space<semaphore_mem>>) src(%dma_wait3A_201 : memref<1703936x32xf32, #tpu.memory_space<hbm>>) dst(%dma_wait3A_195 : memref<128x32xf32, #tpu.memory_space<vmem>>)
      %dma_wait3A_202 = arith.constant 5 : i32
      %dma_wait3A_203 = arith.constant 640 : i32
      %dma_wait3A_204 = arith.constant 0 : i32
      %dma_wait3A_205 = tpu.memref_slice %arg7[%dma_wait3A_203, %dma_wait3A_204] : memref<1280x32xf32, #tpu.memory_space<vmem>> -> memref<128x32xf32, #tpu.memory_space<vmem>>
      %dma_wait3A_206 = arith.constant 0 : i32
      %dma_wait3A_207 = tpu.memref_slice %arg5[%dma_wait3A_202, %dma_wait3A_206] : memref<10x128xi32, #tpu.memory_space<vmem>> -> memref<1x128xi32, #tpu.memory_space<vmem>>
      %dma_wait3A_208 = tpu.memref_squeeze %dma_wait3A_207 : memref<1x128xi32, #tpu.memory_space<vmem>> -> memref<128xi32, #tpu.memory_space<vmem>>
      %dma_wait3A_209 = arith.constant 0 : i32
      %dma_wait3A_210 = arith.constant 0 : i32
      %dma_wait3A_211 = tpu.memref_slice %arg3[%dma_wait3A_209, %dma_wait3A_210] : memref<1703936x32xf32, #tpu.memory_space<hbm>> -> memref<1703936x32xf32, #tpu.memory_space<hbm>>
      tpu.wait_indirect_dma semaphore(%arg13 : memref<!tpu.dma_semaphore, #tpu.memory_space<semaphore_mem>>) src(%dma_wait3A_211 : memref<1703936x32xf32, #tpu.memory_space<hbm>>) dst(%dma_wait3A_205 : memref<128x32xf32, #tpu.memory_space<vmem>>)
      %dma_wait3A_212 = arith.constant 6 : i32
      %dma_wait3A_213 = arith.constant 768 : i32
      %dma_wait3A_214 = arith.constant 0 : i32
      %dma_wait3A_215 = tpu.memref_slice %arg7[%dma_wait3A_213, %dma_wait3A_214] : memref<1280x32xf32, #tpu.memory_space<vmem>> -> memref<128x32xf32, #tpu.memory_space<vmem>>
      %dma_wait3A_216 = arith.constant 0 : i32
      %dma_wait3A_217 = tpu.memref_slice %arg5[%dma_wait3A_212, %dma_wait3A_216] : memref<10x128xi32, #tpu.memory_space<vmem>> -> memref<1x128xi32, #tpu.memory_space<vmem>>
      %dma_wait3A_218 = tpu.memref_squeeze %dma_wait3A_217 : memref<1x128xi32, #tpu.memory_space<vmem>> -> memref<128xi32, #tpu.memory_space<vmem>>
      %dma_wait3A_219 = arith.constant 0 : i32
      %dma_wait3A_220 = arith.constant 0 : i32
      %dma_wait3A_221 = tpu.memref_slice %arg3[%dma_wait3A_219, %dma_wait3A_220] : memref<1703936x32xf32, #tpu.memory_space<hbm>> -> memref<1703936x32xf32, #tpu.memory_space<hbm>>
      tpu.wait_indirect_dma semaphore(%arg13 : memref<!tpu.dma_semaphore, #tpu.memory_space<semaphore_mem>>) src(%dma_wait3A_221 : memref<1703936x32xf32, #tpu.memory_space<hbm>>) dst(%dma_wait3A_215 : memref<128x32xf32, #tpu.memory_space<vmem>>)
      %dma_wait3A_222 = arith.constant 7 : i32
      %dma_wait3A_223 = arith.constant 896 : i32
      %dma_wait3A_224 = arith.constant 0 : i32
      %dma_wait3A_225 = tpu.memref_slice %arg7[%dma_wait3A_223, %dma_wait3A_224] : memref<1280x32xf32, #tpu.memory_space<vmem>> -> memref<128x32xf32, #tpu.memory_space<vmem>>
      %dma_wait3A_226 = arith.constant 0 : i32
      %dma_wait3A_227 = tpu.memref_slice %arg5[%dma_wait3A_222, %dma_wait3A_226] : memref<10x128xi32, #tpu.memory_space<vmem>> -> memref<1x128xi32, #tpu.memory_space<vmem>>
      %dma_wait3A_228 = tpu.memref_squeeze %dma_wait3A_227 : memref<1x128xi32, #tpu.memory_space<vmem>> -> memref<128xi32, #tpu.memory_space<vmem>>
      %dma_wait3A_229 = arith.constant 0 : i32
      %dma_wait3A_230 = arith.constant 0 : i32
      %dma_wait3A_231 = tpu.memref_slice %arg3[%dma_wait3A_229, %dma_wait3A_230] : memref<1703936x32xf32, #tpu.memory_space<hbm>> -> memref<1703936x32xf32, #tpu.memory_space<hbm>>
      tpu.wait_indirect_dma semaphore(%arg13 : memref<!tpu.dma_semaphore, #tpu.memory_space<semaphore_mem>>) src(%dma_wait3A_231 : memref<1703936x32xf32, #tpu.memory_space<hbm>>) dst(%dma_wait3A_225 : memref<128x32xf32, #tpu.memory_space<vmem>>)
      %dma_wait3A_232 = arith.constant 8 : i32
      %dma_wait3A_233 = arith.constant 1024 : i32
      %dma_wait3A_234 = arith.constant 0 : i32
      %dma_wait3A_235 = tpu.memref_slice %arg7[%dma_wait3A_233, %dma_wait3A_234] : memref<1280x32xf32, #tpu.memory_space<vmem>> -> memref<128x32xf32, #tpu.memory_space<vmem>>
      %dma_wait3A_236 = arith.constant 0 : i32
      %dma_wait3A_237 = tpu.memref_slice %arg5[%dma_wait3A_232, %dma_wait3A_236] : memref<10x128xi32, #tpu.memory_space<vmem>> -> memref<1x128xi32, #tpu.memory_space<vmem>>
      %dma_wait3A_238 = tpu.memref_squeeze %dma_wait3A_237 : memref<1x128xi32, #tpu.memory_space<vmem>> -> memref<128xi32, #tpu.memory_space<vmem>>
      %dma_wait3A_239 = arith.constant 0 : i32
      %dma_wait3A_240 = arith.constant 0 : i32
      %dma_wait3A_241 = tpu.memref_slice %arg3[%dma_wait3A_239, %dma_wait3A_240] : memref<1703936x32xf32, #tpu.memory_space<hbm>> -> memref<1703936x32xf32, #tpu.memory_space<hbm>>
      tpu.wait_indirect_dma semaphore(%arg13 : memref<!tpu.dma_semaphore, #tpu.memory_space<semaphore_mem>>) src(%dma_wait3A_241 : memref<1703936x32xf32, #tpu.memory_space<hbm>>) dst(%dma_wait3A_235 : memref<128x32xf32, #tpu.memory_space<vmem>>)
      %dma_wait3A_242 = arith.constant 9 : i32
      %dma_wait3A_243 = arith.constant 1152 : i32
      %dma_wait3A_244 = arith.constant 0 : i32
      %dma_wait3A_245 = tpu.memref_slice %arg7[%dma_wait3A_243, %dma_wait3A_244] : memref<1280x32xf32, #tpu.memory_space<vmem>> -> memref<128x32xf32, #tpu.memory_space<vmem>>
      %dma_wait3A_246 = arith.constant 0 : i32
      %dma_wait3A_247 = tpu.memref_slice %arg5[%dma_wait3A_242, %dma_wait3A_246] : memref<10x128xi32, #tpu.memory_space<vmem>> -> memref<1x128xi32, #tpu.memory_space<vmem>>
      %dma_wait3A_248 = tpu.memref_squeeze %dma_wait3A_247 : memref<1x128xi32, #tpu.memory_space<vmem>> -> memref<128xi32, #tpu.memory_space<vmem>>
      %dma_wait3A_249 = arith.constant 0 : i32
      %dma_wait3A_250 = arith.constant 0 : i32
      %dma_wait3A_251 = tpu.memref_slice %arg3[%dma_wait3A_249, %dma_wait3A_250] : memref<1703936x32xf32, #tpu.memory_space<hbm>> -> memref<1703936x32xf32, #tpu.memory_space<hbm>>
      tpu.wait_indirect_dma semaphore(%arg13 : memref<!tpu.dma_semaphore, #tpu.memory_space<semaphore_mem>>) src(%dma_wait3A_251 : memref<1703936x32xf32, #tpu.memory_space<hbm>>) dst(%dma_wait3A_245 : memref<128x32xf32, #tpu.memory_space<vmem>>)
      %add3A_252 = arith.constant 2 : i32
      %add3A_253 = arith.addi %add3A_151, %add3A_252 : i32
      %lt3A = arith.constant 26 : i32
      %lt3A_254 = arith.cmpi slt, %add3A_253, %lt3A : i32
      %convert_element_type3A = arith.extui %lt3A_254 : i1 to i32
      %cond3A = arith.constant 0 : i32
      %cond3A_255 = arith.cmpi ne, %convert_element_type3A, %cond3A : i32
      scf.if %cond3A_255 {
        %add3A_491 = arith.constant 2 : i32
        %add3A_492 = arith.addi %add3A_151, %add3A_491 : i32
        %jit3A_493 = arith.constant 2 : i32
        %div3A_494 = arith.divsi %add3A_492, %jit3A_493 : i32
        %sign3A_495 = arith.constant 0 : i32
        %sign3A_496 = arith.cmpi sgt, %add3A_492, %sign3A_495 : i32
        %sign3A_497 = arith.extui %sign3A_496 : i1 to i32
        %sign3A_498 = arith.constant 0 : i32
        %sign3A_499 = arith.cmpi slt, %add3A_492, %sign3A_498 : i32
        %sign3A_500 = arith.extui %sign3A_499 : i1 to i32
        %sign3A_501 = arith.subi %sign3A_497, %sign3A_500 : i32
        %sign3A_502 = arith.constant 0 : i32
        %sign3A_503 = arith.cmpi sgt, %jit3A_493, %sign3A_502 : i32
        %sign3A_504 = arith.extui %sign3A_503 : i1 to i32
        %sign3A_505 = arith.constant 0 : i32
        %sign3A_506 = arith.cmpi slt, %jit3A_493, %sign3A_505 : i32
        %sign3A_507 = arith.extui %sign3A_506 : i1 to i32
        %sign3A_508 = arith.subi %sign3A_504, %sign3A_507 : i32
        %ne3A_509 = arith.cmpi ne, %sign3A_501, %sign3A_508 : i32
        %rem3A_510 = arith.remsi %add3A_492, %jit3A_493 : i32
        %ne3A_511 = arith.constant 0 : i32
        %ne3A_512 = arith.cmpi ne, %rem3A_510, %ne3A_511 : i32
        %and3A_513 = arith.andi %ne3A_509, %ne3A_512 : i1
        %sub3A_514 = arith.constant 1 : i32
        %sub3A_515 = arith.subi %div3A_494, %sub3A_514 : i32
        %select_n3A_516 = arith.select %and3A_513, %sub3A_515, %div3A_494 : i32
        %mul3A_517 = arith.constant 64 : i32
        %mul3A_518 = arith.muli %select_n3A_516, %mul3A_517 : i32
        %mul3A_519 = arith.constant 2 : i32
        %mul3A_520 = arith.muli %add3A, %mul3A_519 : i32
        %add3A_521 = arith.addi %mul3A_518, %mul3A_520 : i32
        %jit3A_522 = arith.constant 2 : i32
        %eq3A_523 = arith.constant 0 : i32
        %eq3A_524 = arith.cmpi eq, %jit3A_522, %eq3A_523 : i32
        %jit3A_525 = arith.constant 1 : i32
        %select_n3A_526 = arith.select %eq3A_524, %jit3A_525, %jit3A_522 : i32
        %rem3A_527 = arith.remsi %add3A_492, %select_n3A_526 : i32
        %ne3A_528 = arith.constant 0 : i32
        %ne3A_529 = arith.cmpi ne, %rem3A_527, %ne3A_528 : i32
        %lt3A_530 = arith.constant 0 : i32
        %lt3A_531 = arith.cmpi slt, %rem3A_527, %lt3A_530 : i32
        %lt3A_532 = arith.constant 0 : i32
        %lt3A_533 = arith.cmpi slt, %select_n3A_526, %lt3A_532 : i32
        %ne3A_534 = arith.xori %lt3A_531, %lt3A_533 : i1
        %and3A_535 = arith.andi %ne3A_534, %ne3A_529 : i1
        %add3A_536 = arith.addi %rem3A_527, %select_n3A_526 : i32
        %select_n3A_537 = arith.select %and3A_535, %add3A_536, %rem3A_527 : i32
        %add3A_538 = arith.addi %add3A_521, %select_n3A_537 : i32
        %dma_start3A_539 = arith.constant 0 : i32
        %dma_start3A_540 = arith.constant 0 : i32
        %dma_start3A_541 = tpu.memref_slice %arg2[%add3A_538, %dma_start3A_539, %dma_start3A_540] : memref<832x10x128xi32, #tpu.memory_space<hbm>> -> memref<1x10x128xi32, #tpu.memory_space<hbm>>
        %dma_start3A_542 = tpu.memref_squeeze %dma_start3A_541 : memref<1x10x128xi32, #tpu.memory_space<hbm>> -> memref<10x128xi32, #tpu.memory_space<hbm>>
        %dma_start3A_543 = arith.constant 0 : i32
        %dma_start3A_544 = arith.constant 0 : i32
        %dma_start3A_545 = tpu.memref_slice %arg2[%add3A_538, %dma_start3A_543, %dma_start3A_544] : memref<832x10x128xi32, #tpu.memory_space<hbm>> -> memref<1x10x128xi32, #tpu.memory_space<hbm>>
        %dma_start3A_546 = tpu.memref_squeeze %dma_start3A_545 : memref<1x10x128xi32, #tpu.memory_space<hbm>> -> memref<10x128xi32, #tpu.memory_space<hbm>>
        tpu.enqueue_dma source(%dma_start3A_546 : memref<10x128xi32, #tpu.memory_space<hbm>>) target(%arg5 : memref<10x128xi32, #tpu.memory_space<vmem>>) target_semaphore(%arg11 : memref<!tpu.dma_semaphore, #tpu.memory_space<semaphore_mem>>)
      } else {
      }
      %add3A_256 = arith.constant 1 : i32
      %add3A_257 = arith.addi %add3A_151, %add3A_256 : i32
      %lt3A_258 = arith.constant 26 : i32
      %lt3A_259 = arith.cmpi slt, %add3A_257, %lt3A_258 : i32
      %convert_element_type3A_260 = arith.extui %lt3A_259 : i1 to i32
      %cond3A_261 = arith.constant 0 : i32
      %cond3A_262 = arith.cmpi ne, %convert_element_type3A_260, %cond3A_261 : i32
      scf.if %cond3A_262 {
        %dma_wait3A_491 = arith.constant 0 : i32
        %dma_wait3A_492 = arith.constant 0 : i32
        %dma_wait3A_493 = arith.constant 0 : i32
        %dma_wait3A_494 = tpu.memref_slice %arg2[%dma_wait3A_491, %dma_wait3A_492, %dma_wait3A_493] : memref<832x10x128xi32, #tpu.memory_space<hbm>> -> memref<1x10x128xi32, #tpu.memory_space<hbm>>
        %dma_wait3A_495 = tpu.memref_squeeze %dma_wait3A_494 : memref<1x10x128xi32, #tpu.memory_space<hbm>> -> memref<10x128xi32, #tpu.memory_space<hbm>>
        %dma_wait3A_496 = arith.constant 0 : i32
        %dma_wait3A_497 = arith.constant 0 : i32
        %dma_wait3A_498 = tpu.memref_slice %arg2[%dma_wait3A_491, %dma_wait3A_496, %dma_wait3A_497] : memref<832x10x128xi32, #tpu.memory_space<hbm>> -> memref<1x10x128xi32, #tpu.memory_space<hbm>>
        %dma_wait3A_499 = tpu.memref_squeeze %dma_wait3A_498 : memref<1x10x128xi32, #tpu.memory_space<hbm>> -> memref<10x128xi32, #tpu.memory_space<hbm>>
        tpu.wait_dma2 semaphore(%arg12 : memref<!tpu.dma_semaphore, #tpu.memory_space<semaphore_mem>>) src(%dma_wait3A_499 : memref<10x128xi32, #tpu.memory_space<hbm>>) dst(%arg6 : memref<10x128xi32, #tpu.memory_space<vmem>>)
        %dma_start3A_500 = arith.constant 0 : i32
        %dma_start3A_501 = arith.constant 0 : i32
        %dma_start3A_502 = arith.constant 0 : i32
        %dma_start3A_503 = tpu.memref_slice %arg8[%dma_start3A_501, %dma_start3A_502] : memref<1280x32xf32, #tpu.memory_space<vmem>> -> memref<128x32xf32, #tpu.memory_space<vmem>>
        %dma_start3A_504 = arith.constant 0 : i32
        %dma_start3A_505 = tpu.memref_slice %arg6[%dma_start3A_500, %dma_start3A_504] : memref<10x128xi32, #tpu.memory_space<vmem>> -> memref<1x128xi32, #tpu.memory_space<vmem>>
        %dma_start3A_506 = tpu.memref_squeeze %dma_start3A_505 : memref<1x128xi32, #tpu.memory_space<vmem>> -> memref<128xi32, #tpu.memory_space<vmem>>
        %dma_start3A_507 = arith.constant 0 : i32
        %dma_start3A_508 = arith.constant 0 : i32
        %dma_start3A_509 = tpu.memref_slice %arg3[%dma_start3A_507, %dma_start3A_508] : memref<1703936x32xf32, #tpu.memory_space<hbm>> -> memref<1703936x32xf32, #tpu.memory_space<hbm>>
        tpu.enqueue_indirect_dma source(%dma_start3A_509 : memref<1703936x32xf32, #tpu.memory_space<hbm>>) target(%dma_start3A_503 : memref<128x32xf32, #tpu.memory_space<vmem>>) offsets(%dma_start3A_506 : memref<128xi32, #tpu.memory_space<vmem>>) semaphore(%arg14 : memref<!tpu.dma_semaphore, #tpu.memory_space<semaphore_mem>>)
        %dma_start3A_510 = arith.constant 1 : i32
        %dma_start3A_511 = arith.constant 128 : i32
        %dma_start3A_512 = arith.constant 0 : i32
        %dma_start3A_513 = tpu.memref_slice %arg8[%dma_start3A_511, %dma_start3A_512] : memref<1280x32xf32, #tpu.memory_space<vmem>> -> memref<128x32xf32, #tpu.memory_space<vmem>>
        %dma_start3A_514 = arith.constant 0 : i32
        %dma_start3A_515 = tpu.memref_slice %arg6[%dma_start3A_510, %dma_start3A_514] : memref<10x128xi32, #tpu.memory_space<vmem>> -> memref<1x128xi32, #tpu.memory_space<vmem>>
        %dma_start3A_516 = tpu.memref_squeeze %dma_start3A_515 : memref<1x128xi32, #tpu.memory_space<vmem>> -> memref<128xi32, #tpu.memory_space<vmem>>
        %dma_start3A_517 = arith.constant 0 : i32
        %dma_start3A_518 = arith.constant 0 : i32
        %dma_start3A_519 = tpu.memref_slice %arg3[%dma_start3A_517, %dma_start3A_518] : memref<1703936x32xf32, #tpu.memory_space<hbm>> -> memref<1703936x32xf32, #tpu.memory_space<hbm>>
        tpu.enqueue_indirect_dma source(%dma_start3A_519 : memref<1703936x32xf32, #tpu.memory_space<hbm>>) target(%dma_start3A_513 : memref<128x32xf32, #tpu.memory_space<vmem>>) offsets(%dma_start3A_516 : memref<128xi32, #tpu.memory_space<vmem>>) semaphore(%arg14 : memref<!tpu.dma_semaphore, #tpu.memory_space<semaphore_mem>>)
        %dma_start3A_520 = arith.constant 2 : i32
        %dma_start3A_521 = arith.constant 256 : i32
        %dma_start3A_522 = arith.constant 0 : i32
        %dma_start3A_523 = tpu.memref_slice %arg8[%dma_start3A_521, %dma_start3A_522] : memref<1280x32xf32, #tpu.memory_space<vmem>> -> memref<128x32xf32, #tpu.memory_space<vmem>>
        %dma_start3A_524 = arith.constant 0 : i32
        %dma_start3A_525 = tpu.memref_slice %arg6[%dma_start3A_520, %dma_start3A_524] : memref<10x128xi32, #tpu.memory_space<vmem>> -> memref<1x128xi32, #tpu.memory_space<vmem>>
        %dma_start3A_526 = tpu.memref_squeeze %dma_start3A_525 : memref<1x128xi32, #tpu.memory_space<vmem>> -> memref<128xi32, #tpu.memory_space<vmem>>
        %dma_start3A_527 = arith.constant 0 : i32
        %dma_start3A_528 = arith.constant 0 : i32
        %dma_start3A_529 = tpu.memref_slice %arg3[%dma_start3A_527, %dma_start3A_528] : memref<1703936x32xf32, #tpu.memory_space<hbm>> -> memref<1703936x32xf32, #tpu.memory_space<hbm>>
        tpu.enqueue_indirect_dma source(%dma_start3A_529 : memref<1703936x32xf32, #tpu.memory_space<hbm>>) target(%dma_start3A_523 : memref<128x32xf32, #tpu.memory_space<vmem>>) offsets(%dma_start3A_526 : memref<128xi32, #tpu.memory_space<vmem>>) semaphore(%arg14 : memref<!tpu.dma_semaphore, #tpu.memory_space<semaphore_mem>>)
        %dma_start3A_530 = arith.constant 3 : i32
        %dma_start3A_531 = arith.constant 384 : i32
        %dma_start3A_532 = arith.constant 0 : i32
        %dma_start3A_533 = tpu.memref_slice %arg8[%dma_start3A_531, %dma_start3A_532] : memref<1280x32xf32, #tpu.memory_space<vmem>> -> memref<128x32xf32, #tpu.memory_space<vmem>>
        %dma_start3A_534 = arith.constant 0 : i32
        %dma_start3A_535 = tpu.memref_slice %arg6[%dma_start3A_530, %dma_start3A_534] : memref<10x128xi32, #tpu.memory_space<vmem>> -> memref<1x128xi32, #tpu.memory_space<vmem>>
        %dma_start3A_536 = tpu.memref_squeeze %dma_start3A_535 : memref<1x128xi32, #tpu.memory_space<vmem>> -> memref<128xi32, #tpu.memory_space<vmem>>
        %dma_start3A_537 = arith.constant 0 : i32
        %dma_start3A_538 = arith.constant 0 : i32
        %dma_start3A_539 = tpu.memref_slice %arg3[%dma_start3A_537, %dma_start3A_538] : memref<1703936x32xf32, #tpu.memory_space<hbm>> -> memref<1703936x32xf32, #tpu.memory_space<hbm>>
        tpu.enqueue_indirect_dma source(%dma_start3A_539 : memref<1703936x32xf32, #tpu.memory_space<hbm>>) target(%dma_start3A_533 : memref<128x32xf32, #tpu.memory_space<vmem>>) offsets(%dma_start3A_536 : memref<128xi32, #tpu.memory_space<vmem>>) semaphore(%arg14 : memref<!tpu.dma_semaphore, #tpu.memory_space<semaphore_mem>>)
        %dma_start3A_540 = arith.constant 4 : i32
        %dma_start3A_541 = arith.constant 512 : i32
        %dma_start3A_542 = arith.constant 0 : i32
        %dma_start3A_543 = tpu.memref_slice %arg8[%dma_start3A_541, %dma_start3A_542] : memref<1280x32xf32, #tpu.memory_space<vmem>> -> memref<128x32xf32, #tpu.memory_space<vmem>>
        %dma_start3A_544 = arith.constant 0 : i32
        %dma_start3A_545 = tpu.memref_slice %arg6[%dma_start3A_540, %dma_start3A_544] : memref<10x128xi32, #tpu.memory_space<vmem>> -> memref<1x128xi32, #tpu.memory_space<vmem>>
        %dma_start3A_546 = tpu.memref_squeeze %dma_start3A_545 : memref<1x128xi32, #tpu.memory_space<vmem>> -> memref<128xi32, #tpu.memory_space<vmem>>
        %dma_start3A_547 = arith.constant 0 : i32
        %dma_start3A_548 = arith.constant 0 : i32
        %dma_start3A_549 = tpu.memref_slice %arg3[%dma_start3A_547, %dma_start3A_548] : memref<1703936x32xf32, #tpu.memory_space<hbm>> -> memref<1703936x32xf32, #tpu.memory_space<hbm>>
        tpu.enqueue_indirect_dma source(%dma_start3A_549 : memref<1703936x32xf32, #tpu.memory_space<hbm>>) target(%dma_start3A_543 : memref<128x32xf32, #tpu.memory_space<vmem>>) offsets(%dma_start3A_546 : memref<128xi32, #tpu.memory_space<vmem>>) semaphore(%arg14 : memref<!tpu.dma_semaphore, #tpu.memory_space<semaphore_mem>>)
        %dma_start3A_550 = arith.constant 5 : i32
        %dma_start3A_551 = arith.constant 640 : i32
        %dma_start3A_552 = arith.constant 0 : i32
        %dma_start3A_553 = tpu.memref_slice %arg8[%dma_start3A_551, %dma_start3A_552] : memref<1280x32xf32, #tpu.memory_space<vmem>> -> memref<128x32xf32, #tpu.memory_space<vmem>>
        %dma_start3A_554 = arith.constant 0 : i32
        %dma_start3A_555 = tpu.memref_slice %arg6[%dma_start3A_550, %dma_start3A_554] : memref<10x128xi32, #tpu.memory_space<vmem>> -> memref<1x128xi32, #tpu.memory_space<vmem>>
        %dma_start3A_556 = tpu.memref_squeeze %dma_start3A_555 : memref<1x128xi32, #tpu.memory_space<vmem>> -> memref<128xi32, #tpu.memory_space<vmem>>
        %dma_start3A_557 = arith.constant 0 : i32
        %dma_start3A_558 = arith.constant 0 : i32
        %dma_start3A_559 = tpu.memref_slice %arg3[%dma_start3A_557, %dma_start3A_558] : memref<1703936x32xf32, #tpu.memory_space<hbm>> -> memref<1703936x32xf32, #tpu.memory_space<hbm>>
        tpu.enqueue_indirect_dma source(%dma_start3A_559 : memref<1703936x32xf32, #tpu.memory_space<hbm>>) target(%dma_start3A_553 : memref<128x32xf32, #tpu.memory_space<vmem>>) offsets(%dma_start3A_556 : memref<128xi32, #tpu.memory_space<vmem>>) semaphore(%arg14 : memref<!tpu.dma_semaphore, #tpu.memory_space<semaphore_mem>>)
        %dma_start3A_560 = arith.constant 6 : i32
        %dma_start3A_561 = arith.constant 768 : i32
        %dma_start3A_562 = arith.constant 0 : i32
        %dma_start3A_563 = tpu.memref_slice %arg8[%dma_start3A_561, %dma_start3A_562] : memref<1280x32xf32, #tpu.memory_space<vmem>> -> memref<128x32xf32, #tpu.memory_space<vmem>>
        %dma_start3A_564 = arith.constant 0 : i32
        %dma_start3A_565 = tpu.memref_slice %arg6[%dma_start3A_560, %dma_start3A_564] : memref<10x128xi32, #tpu.memory_space<vmem>> -> memref<1x128xi32, #tpu.memory_space<vmem>>
        %dma_start3A_566 = tpu.memref_squeeze %dma_start3A_565 : memref<1x128xi32, #tpu.memory_space<vmem>> -> memref<128xi32, #tpu.memory_space<vmem>>
        %dma_start3A_567 = arith.constant 0 : i32
        %dma_start3A_568 = arith.constant 0 : i32
        %dma_start3A_569 = tpu.memref_slice %arg3[%dma_start3A_567, %dma_start3A_568] : memref<1703936x32xf32, #tpu.memory_space<hbm>> -> memref<1703936x32xf32, #tpu.memory_space<hbm>>
        tpu.enqueue_indirect_dma source(%dma_start3A_569 : memref<1703936x32xf32, #tpu.memory_space<hbm>>) target(%dma_start3A_563 : memref<128x32xf32, #tpu.memory_space<vmem>>) offsets(%dma_start3A_566 : memref<128xi32, #tpu.memory_space<vmem>>) semaphore(%arg14 : memref<!tpu.dma_semaphore, #tpu.memory_space<semaphore_mem>>)
        %dma_start3A_570 = arith.constant 7 : i32
        %dma_start3A_571 = arith.constant 896 : i32
        %dma_start3A_572 = arith.constant 0 : i32
        %dma_start3A_573 = tpu.memref_slice %arg8[%dma_start3A_571, %dma_start3A_572] : memref<1280x32xf32, #tpu.memory_space<vmem>> -> memref<128x32xf32, #tpu.memory_space<vmem>>
        %dma_start3A_574 = arith.constant 0 : i32
        %dma_start3A_575 = tpu.memref_slice %arg6[%dma_start3A_570, %dma_start3A_574] : memref<10x128xi32, #tpu.memory_space<vmem>> -> memref<1x128xi32, #tpu.memory_space<vmem>>
        %dma_start3A_576 = tpu.memref_squeeze %dma_start3A_575 : memref<1x128xi32, #tpu.memory_space<vmem>> -> memref<128xi32, #tpu.memory_space<vmem>>
        %dma_start3A_577 = arith.constant 0 : i32
        %dma_start3A_578 = arith.constant 0 : i32
        %dma_start3A_579 = tpu.memref_slice %arg3[%dma_start3A_577, %dma_start3A_578] : memref<1703936x32xf32, #tpu.memory_space<hbm>> -> memref<1703936x32xf32, #tpu.memory_space<hbm>>
        tpu.enqueue_indirect_dma source(%dma_start3A_579 : memref<1703936x32xf32, #tpu.memory_space<hbm>>) target(%dma_start3A_573 : memref<128x32xf32, #tpu.memory_space<vmem>>) offsets(%dma_start3A_576 : memref<128xi32, #tpu.memory_space<vmem>>) semaphore(%arg14 : memref<!tpu.dma_semaphore, #tpu.memory_space<semaphore_mem>>)
        %dma_start3A_580 = arith.constant 8 : i32
        %dma_start3A_581 = arith.constant 1024 : i32
        %dma_start3A_582 = arith.constant 0 : i32
        %dma_start3A_583 = tpu.memref_slice %arg8[%dma_start3A_581, %dma_start3A_582] : memref<1280x32xf32, #tpu.memory_space<vmem>> -> memref<128x32xf32, #tpu.memory_space<vmem>>
        %dma_start3A_584 = arith.constant 0 : i32
        %dma_start3A_585 = tpu.memref_slice %arg6[%dma_start3A_580, %dma_start3A_584] : memref<10x128xi32, #tpu.memory_space<vmem>> -> memref<1x128xi32, #tpu.memory_space<vmem>>
        %dma_start3A_586 = tpu.memref_squeeze %dma_start3A_585 : memref<1x128xi32, #tpu.memory_space<vmem>> -> memref<128xi32, #tpu.memory_space<vmem>>
        %dma_start3A_587 = arith.constant 0 : i32
        %dma_start3A_588 = arith.constant 0 : i32
        %dma_start3A_589 = tpu.memref_slice %arg3[%dma_start3A_587, %dma_start3A_588] : memref<1703936x32xf32, #tpu.memory_space<hbm>> -> memref<1703936x32xf32, #tpu.memory_space<hbm>>
        tpu.enqueue_indirect_dma source(%dma_start3A_589 : memref<1703936x32xf32, #tpu.memory_space<hbm>>) target(%dma_start3A_583 : memref<128x32xf32, #tpu.memory_space<vmem>>) offsets(%dma_start3A_586 : memref<128xi32, #tpu.memory_space<vmem>>) semaphore(%arg14 : memref<!tpu.dma_semaphore, #tpu.memory_space<semaphore_mem>>)
        %dma_start3A_590 = arith.constant 9 : i32
        %dma_start3A_591 = arith.constant 1152 : i32
        %dma_start3A_592 = arith.constant 0 : i32
        %dma_start3A_593 = tpu.memref_slice %arg8[%dma_start3A_591, %dma_start3A_592] : memref<1280x32xf32, #tpu.memory_space<vmem>> -> memref<128x32xf32, #tpu.memory_space<vmem>>
        %dma_start3A_594 = arith.constant 0 : i32
        %dma_start3A_595 = tpu.memref_slice %arg6[%dma_start3A_590, %dma_start3A_594] : memref<10x128xi32, #tpu.memory_space<vmem>> -> memref<1x128xi32, #tpu.memory_space<vmem>>
        %dma_start3A_596 = tpu.memref_squeeze %dma_start3A_595 : memref<1x128xi32, #tpu.memory_space<vmem>> -> memref<128xi32, #tpu.memory_space<vmem>>
        %dma_start3A_597 = arith.constant 0 : i32
        %dma_start3A_598 = arith.constant 0 : i32
        %dma_start3A_599 = tpu.memref_slice %arg3[%dma_start3A_597, %dma_start3A_598] : memref<1703936x32xf32, #tpu.memory_space<hbm>> -> memref<1703936x32xf32, #tpu.memory_space<hbm>>
        tpu.enqueue_indirect_dma source(%dma_start3A_599 : memref<1703936x32xf32, #tpu.memory_space<hbm>>) target(%dma_start3A_593 : memref<128x32xf32, #tpu.memory_space<vmem>>) offsets(%dma_start3A_596 : memref<128xi32, #tpu.memory_space<vmem>>) semaphore(%arg14 : memref<!tpu.dma_semaphore, #tpu.memory_space<semaphore_mem>>)
      } else {
      }
      %ge3A = arith.constant 2 : i32
      %ge3A_263 = arith.cmpi sge, %add3A_151, %ge3A : i32
      %convert_element_type3A_264 = arith.extui %ge3A_263 : i1 to i32
      %cond3A_265 = arith.constant 0 : i32
      %cond3A_266 = arith.cmpi ne, %convert_element_type3A_264, %cond3A_265 : i32
      scf.if %cond3A_266 {
        %sub3A_491 = arith.constant 2 : i32
        %sub3A_492 = arith.subi %add3A_151, %sub3A_491 : i32
        %mul3A_493 = arith.constant 128 : i32
        %mul3A_494 = arith.muli %add3A, %mul3A_493 : i32
        %jit3A_495 = arith.constant 2 : i32
        %eq3A_496 = arith.constant 0 : i32
        %eq3A_497 = arith.cmpi eq, %jit3A_495, %eq3A_496 : i32
        %jit3A_498 = arith.constant 1 : i32
        %select_n3A_499 = arith.select %eq3A_497, %jit3A_498, %jit3A_495 : i32
        %rem3A_500 = arith.remsi %sub3A_492, %select_n3A_499 : i32
        %ne3A_501 = arith.constant 0 : i32
        %ne3A_502 = arith.cmpi ne, %rem3A_500, %ne3A_501 : i32
        %lt3A_503 = arith.constant 0 : i32
        %lt3A_504 = arith.cmpi slt, %rem3A_500, %lt3A_503 : i32
        %lt3A_505 = arith.constant 0 : i32
        %lt3A_506 = arith.cmpi slt, %select_n3A_499, %lt3A_505 : i32
        %ne3A_507 = arith.xori %lt3A_504, %lt3A_506 : i1
        %and3A_508 = arith.andi %ne3A_507, %ne3A_502 : i1
        %add3A_509 = arith.addi %rem3A_500, %select_n3A_499 : i32
        %select_n3A_510 = arith.select %and3A_508, %add3A_509, %rem3A_500 : i32
        %mul3A_511 = arith.constant 64 : i32
        %mul3A_512 = arith.muli %select_n3A_510, %mul3A_511 : i32
        %add3A_513 = arith.addi %mul3A_494, %mul3A_512 : i32
        %jit3A_514 = arith.constant 2 : i32
        %div3A_515 = arith.divsi %sub3A_492, %jit3A_514 : i32
        %sign3A_516 = arith.constant 0 : i32
        %sign3A_517 = arith.cmpi sgt, %sub3A_492, %sign3A_516 : i32
        %sign3A_518 = arith.extui %sign3A_517 : i1 to i32
        %sign3A_519 = arith.constant 0 : i32
        %sign3A_520 = arith.cmpi slt, %sub3A_492, %sign3A_519 : i32
        %sign3A_521 = arith.extui %sign3A_520 : i1 to i32
        %sign3A_522 = arith.subi %sign3A_518, %sign3A_521 : i32
        %sign3A_523 = arith.constant 0 : i32
        %sign3A_524 = arith.cmpi sgt, %jit3A_514, %sign3A_523 : i32
        %sign3A_525 = arith.extui %sign3A_524 : i1 to i32
        %sign3A_526 = arith.constant 0 : i32
        %sign3A_527 = arith.cmpi slt, %jit3A_514, %sign3A_526 : i32
        %sign3A_528 = arith.extui %sign3A_527 : i1 to i32
        %sign3A_529 = arith.subi %sign3A_525, %sign3A_528 : i32
        %ne3A_530 = arith.cmpi ne, %sign3A_522, %sign3A_529 : i32
        %rem3A_531 = arith.remsi %sub3A_492, %jit3A_514 : i32
        %ne3A_532 = arith.constant 0 : i32
        %ne3A_533 = arith.cmpi ne, %rem3A_531, %ne3A_532 : i32
        %and3A_534 = arith.andi %ne3A_530, %ne3A_533 : i1
        %sub3A_535 = arith.constant 1 : i32
        %sub3A_536 = arith.subi %div3A_515, %sub3A_535 : i32
        %select_n3A_537 = arith.select %and3A_534, %sub3A_536, %div3A_515 : i32
        %dma_wait3A_538 = arith.constant 0 : i32
        %dma_wait3A_539 = tpu.memref_slice %arg4[%add3A_513, %select_n3A_537, %dma_wait3A_538] : memref<4096x13x32xf32, #tpu.memory_space<hbm>> -> memref<64x1x32xf32, #tpu.memory_space<hbm>>
        %dma_wait3A_540 = tpu.memref_squeeze %dma_wait3A_539 : memref<64x1x32xf32, #tpu.memory_space<hbm>> -> memref<64x32xf32, #tpu.memory_space<hbm>>
        %dma_wait3A_541 = arith.constant 0 : i32
        %dma_wait3A_542 = tpu.memref_slice %arg4[%add3A_513, %select_n3A_537, %dma_wait3A_541] : memref<4096x13x32xf32, #tpu.memory_space<hbm>> -> memref<64x1x32xf32, #tpu.memory_space<hbm>>
        %dma_wait3A_543 = tpu.memref_squeeze %dma_wait3A_542 : memref<64x1x32xf32, #tpu.memory_space<hbm>> -> memref<64x32xf32, #tpu.memory_space<hbm>>
        tpu.wait_dma2 semaphore(%arg15 : memref<!tpu.dma_semaphore, #tpu.memory_space<semaphore_mem>>) src(%arg9 : memref<64x32xf32, #tpu.memory_space<vmem>>) dst(%dma_wait3A_543 : memref<64x32xf32, #tpu.memory_space<hbm>>)
      } else {
      }
      %scan3A_267 = arith.constant 0 : i32
      %scan3A_268 = arith.constant 64 : i32
      %scan3A_269 = arith.addi %scan3A_267, %scan3A_268 : i32
      %scan3A_270 = arith.constant 1 : i32
      scf.for %scan3A_491 = %scan3A_267 to %scan3A_269 step %scan3A_270  : i32 {
        %mul3A_492 = arith.constant 1 : i32
        %mul3A_493 = arith.muli %scan3A_491, %mul3A_492 : i32
        %add3A_494 = arith.constant 0 : i32
        %add3A_495 = arith.addi %add3A_494, %mul3A_493 : i32
        %mul3A_496 = arith.constant 20 : i32
        %mul3A_497 = arith.muli %add3A_495, %mul3A_496 : i32
        %get3A = arith.index_cast %mul3A_497 : i32 to index
        %get3A_498 = arith.constant 0 : index
        %get3A_499 = tpu.vector_load %arg7[%get3A, %get3A_498] {strides = array<i32>} : memref<1280x32xf32, #tpu.memory_space<vmem>>, vector<1x16xf32>,
        %get3A_500 = vector.shape_cast %get3A_499 : vector<1x16xf32> to vector<16xf32>
        %get3A_501 = arith.index_cast %mul3A_497 : i32 to index
        %get3A_502 = arith.constant 16 : index
        %get3A_503 = tpu.vector_load %arg7[%get3A_501, %get3A_502] {strides = array<i32>} : memref<1280x32xf32, #tpu.memory_space<vmem>>, vector<1x16xf32>,
        %get3A_504 = vector.shape_cast %get3A_503 : vector<1x16xf32> to vector<16xf32>
        %add3A_505 = arith.constant 1 : i32
        %add3A_506 = arith.addi %mul3A_497, %add3A_505 : i32
        %get3A_507 = arith.index_cast %add3A_506 : i32 to index
        %get3A_508 = arith.constant 0 : index
        %get3A_509 = tpu.vector_load %arg7[%get3A_507, %get3A_508] {strides = array<i32>} : memref<1280x32xf32, #tpu.memory_space<vmem>>, vector<1x16xf32>,
        %get3A_510 = vector.shape_cast %get3A_509 : vector<1x16xf32> to vector<16xf32>
        %add3A_511 = arith.addf %get3A_500, %get3A_510 : vector<16xf32>
        %add3A_512 = arith.constant 1 : i32
        %add3A_513 = arith.addi %mul3A_497, %add3A_512 : i32
        %get3A_514 = arith.index_cast %add3A_513 : i32 to index
        %get3A_515 = arith.constant 16 : index
        %get3A_516 = tpu.vector_load %arg7[%get3A_514, %get3A_515] {strides = array<i32>} : memref<1280x32xf32, #tpu.memory_space<vmem>>, vector<1x16xf32>,
        %get3A_517 = vector.shape_cast %get3A_516 : vector<1x16xf32> to vector<16xf32>
        %add3A_518 = arith.addf %get3A_504, %get3A_517 : vector<16xf32>
        %add3A_519 = arith.constant 2 : i32
        %add3A_520 = arith.addi %mul3A_497, %add3A_519 : i32
        %get3A_521 = arith.index_cast %add3A_520 : i32 to index
        %get3A_522 = arith.constant 0 : index
        %get3A_523 = tpu.vector_load %arg7[%get3A_521, %get3A_522] {strides = array<i32>} : memref<1280x32xf32, #tpu.memory_space<vmem>>, vector<1x16xf32>,
        %get3A_524 = vector.shape_cast %get3A_523 : vector<1x16xf32> to vector<16xf32>
        %add3A_525 = arith.addf %add3A_511, %get3A_524 : vector<16xf32>
        %add3A_526 = arith.constant 2 : i32
        %add3A_527 = arith.addi %mul3A_497, %add3A_526 : i32
        %get3A_528 = arith.index_cast %add3A_527 : i32 to index
        %get3A_529 = arith.constant 16 : index
        %get3A_530 = tpu.vector_load %arg7[%get3A_528, %get3A_529] {strides = array<i32>} : memref<1280x32xf32, #tpu.memory_space<vmem>>, vector<1x16xf32>,
        %get3A_531 = vector.shape_cast %get3A_530 : vector<1x16xf32> to vector<16xf32>
        %add3A_532 = arith.addf %add3A_518, %get3A_531 : vector<16xf32>
        %add3A_533 = arith.constant 3 : i32
        %add3A_534 = arith.addi %mul3A_497, %add3A_533 : i32
        %get3A_535 = arith.index_cast %add3A_534 : i32 to index
        %get3A_536 = arith.constant 0 : index
        %get3A_537 = tpu.vector_load %arg7[%get3A_535, %get3A_536] {strides = array<i32>} : memref<1280x32xf32, #tpu.memory_space<vmem>>, vector<1x16xf32>,
        %get3A_538 = vector.shape_cast %get3A_537 : vector<1x16xf32> to vector<16xf32>
        %add3A_539 = arith.addf %add3A_525, %get3A_538 : vector<16xf32>
        %add3A_540 = arith.constant 3 : i32
        %add3A_541 = arith.addi %mul3A_497, %add3A_540 : i32
        %get3A_542 = arith.index_cast %add3A_541 : i32 to index
        %get3A_543 = arith.constant 16 : index
        %get3A_544 = tpu.vector_load %arg7[%get3A_542, %get3A_543] {strides = array<i32>} : memref<1280x32xf32, #tpu.memory_space<vmem>>, vector<1x16xf32>,
        %get3A_545 = vector.shape_cast %get3A_544 : vector<1x16xf32> to vector<16xf32>
        %add3A_546 = arith.addf %add3A_532, %get3A_545 : vector<16xf32>
        %add3A_547 = arith.constant 4 : i32
        %add3A_548 = arith.addi %mul3A_497, %add3A_547 : i32
        %get3A_549 = arith.index_cast %add3A_548 : i32 to index
        %get3A_550 = arith.constant 0 : index
        %get3A_551 = tpu.vector_load %arg7[%get3A_549, %get3A_550] {strides = array<i32>} : memref<1280x32xf32, #tpu.memory_space<vmem>>, vector<1x16xf32>,
        %get3A_552 = vector.shape_cast %get3A_551 : vector<1x16xf32> to vector<16xf32>
        %add3A_553 = arith.addf %add3A_539, %get3A_552 : vector<16xf32>
        %add3A_554 = arith.constant 4 : i32
        %add3A_555 = arith.addi %mul3A_497, %add3A_554 : i32
        %get3A_556 = arith.index_cast %add3A_555 : i32 to index
        %get3A_557 = arith.constant 16 : index
        %get3A_558 = tpu.vector_load %arg7[%get3A_556, %get3A_557] {strides = array<i32>} : memref<1280x32xf32, #tpu.memory_space<vmem>>, vector<1x16xf32>,
        %get3A_559 = vector.shape_cast %get3A_558 : vector<1x16xf32> to vector<16xf32>
        %add3A_560 = arith.addf %add3A_546, %get3A_559 : vector<16xf32>
        %add3A_561 = arith.constant 5 : i32
        %add3A_562 = arith.addi %mul3A_497, %add3A_561 : i32
        %get3A_563 = arith.index_cast %add3A_562 : i32 to index
        %get3A_564 = arith.constant 0 : index
        %get3A_565 = tpu.vector_load %arg7[%get3A_563, %get3A_564] {strides = array<i32>} : memref<1280x32xf32, #tpu.memory_space<vmem>>, vector<1x16xf32>,
        %get3A_566 = vector.shape_cast %get3A_565 : vector<1x16xf32> to vector<16xf32>
        %add3A_567 = arith.addf %add3A_553, %get3A_566 : vector<16xf32>
        %add3A_568 = arith.constant 5 : i32
        %add3A_569 = arith.addi %mul3A_497, %add3A_568 : i32
        %get3A_570 = arith.index_cast %add3A_569 : i32 to index
        %get3A_571 = arith.constant 16 : index
        %get3A_572 = tpu.vector_load %arg7[%get3A_570, %get3A_571] {strides = array<i32>} : memref<1280x32xf32, #tpu.memory_space<vmem>>, vector<1x16xf32>,
        %get3A_573 = vector.shape_cast %get3A_572 : vector<1x16xf32> to vector<16xf32>
        %add3A_574 = arith.addf %add3A_560, %get3A_573 : vector<16xf32>
        %add3A_575 = arith.constant 6 : i32
        %add3A_576 = arith.addi %mul3A_497, %add3A_575 : i32
        %get3A_577 = arith.index_cast %add3A_576 : i32 to index
        %get3A_578 = arith.constant 0 : index
        %get3A_579 = tpu.vector_load %arg7[%get3A_577, %get3A_578] {strides = array<i32>} : memref<1280x32xf32, #tpu.memory_space<vmem>>, vector<1x16xf32>,
        %get3A_580 = vector.shape_cast %get3A_579 : vector<1x16xf32> to vector<16xf32>
        %add3A_581 = arith.addf %add3A_567, %get3A_580 : vector<16xf32>
        %add3A_582 = arith.constant 6 : i32
        %add3A_583 = arith.addi %mul3A_497, %add3A_582 : i32
        %get3A_584 = arith.index_cast %add3A_583 : i32 to index
        %get3A_585 = arith.constant 16 : index
        %get3A_586 = tpu.vector_load %arg7[%get3A_584, %get3A_585] {strides = array<i32>} : memref<1280x32xf32, #tpu.memory_space<vmem>>, vector<1x16xf32>,
        %get3A_587 = vector.shape_cast %get3A_586 : vector<1x16xf32> to vector<16xf32>
        %add3A_588 = arith.addf %add3A_574, %get3A_587 : vector<16xf32>
        %add3A_589 = arith.constant 7 : i32
        %add3A_590 = arith.addi %mul3A_497, %add3A_589 : i32
        %get3A_591 = arith.index_cast %add3A_590 : i32 to index
        %get3A_592 = arith.constant 0 : index
        %get3A_593 = tpu.vector_load %arg7[%get3A_591, %get3A_592] {strides = array<i32>} : memref<1280x32xf32, #tpu.memory_space<vmem>>, vector<1x16xf32>,
        %get3A_594 = vector.shape_cast %get3A_593 : vector<1x16xf32> to vector<16xf32>
        %add3A_595 = arith.addf %add3A_581, %get3A_594 : vector<16xf32>
        %add3A_596 = arith.constant 7 : i32
        %add3A_597 = arith.addi %mul3A_497, %add3A_596 : i32
        %get3A_598 = arith.index_cast %add3A_597 : i32 to index
        %get3A_599 = arith.constant 16 : index
        %get3A_600 = tpu.vector_load %arg7[%get3A_598, %get3A_599] {strides = array<i32>} : memref<1280x32xf32, #tpu.memory_space<vmem>>, vector<1x16xf32>,
        %get3A_601 = vector.shape_cast %get3A_600 : vector<1x16xf32> to vector<16xf32>
        %add3A_602 = arith.addf %add3A_588, %get3A_601 : vector<16xf32>
        %add3A_603 = arith.constant 8 : i32
        %add3A_604 = arith.addi %mul3A_497, %add3A_603 : i32
        %get3A_605 = arith.index_cast %add3A_604 : i32 to index
        %get3A_606 = arith.constant 0 : index
        %get3A_607 = tpu.vector_load %arg7[%get3A_605, %get3A_606] {strides = array<i32>} : memref<1280x32xf32, #tpu.memory_space<vmem>>, vector<1x16xf32>,
        %get3A_608 = vector.shape_cast %get3A_607 : vector<1x16xf32> to vector<16xf32>
        %add3A_609 = arith.addf %add3A_595, %get3A_608 : vector<16xf32>
        %add3A_610 = arith.constant 8 : i32
        %add3A_611 = arith.addi %mul3A_497, %add3A_610 : i32
        %get3A_612 = arith.index_cast %add3A_611 : i32 to index
        %get3A_613 = arith.constant 16 : index
        %get3A_614 = tpu.vector_load %arg7[%get3A_612, %get3A_613] {strides = array<i32>} : memref<1280x32xf32, #tpu.memory_space<vmem>>, vector<1x16xf32>,
        %get3A_615 = vector.shape_cast %get3A_614 : vector<1x16xf32> to vector<16xf32>
        %add3A_616 = arith.addf %add3A_602, %get3A_615 : vector<16xf32>
        %add3A_617 = arith.constant 9 : i32
        %add3A_618 = arith.addi %mul3A_497, %add3A_617 : i32
        %get3A_619 = arith.index_cast %add3A_618 : i32 to index
        %get3A_620 = arith.constant 0 : index
        %get3A_621 = tpu.vector_load %arg7[%get3A_619, %get3A_620] {strides = array<i32>} : memref<1280x32xf32, #tpu.memory_space<vmem>>, vector<1x16xf32>,
        %get3A_622 = vector.shape_cast %get3A_621 : vector<1x16xf32> to vector<16xf32>
        %add3A_623 = arith.addf %add3A_609, %get3A_622 : vector<16xf32>
        %add3A_624 = arith.constant 9 : i32
        %add3A_625 = arith.addi %mul3A_497, %add3A_624 : i32
        %get3A_626 = arith.index_cast %add3A_625 : i32 to index
        %get3A_627 = arith.constant 16 : index
        %get3A_628 = tpu.vector_load %arg7[%get3A_626, %get3A_627] {strides = array<i32>} : memref<1280x32xf32, #tpu.memory_space<vmem>>, vector<1x16xf32>,
        %get3A_629 = vector.shape_cast %get3A_628 : vector<1x16xf32> to vector<16xf32>
        %add3A_630 = arith.addf %add3A_616, %get3A_629 : vector<16xf32>
        %add3A_631 = arith.constant 10 : i32
        %add3A_632 = arith.addi %mul3A_497, %add3A_631 : i32
        %get3A_633 = arith.index_cast %add3A_632 : i32 to index
        %get3A_634 = arith.constant 0 : index
        %get3A_635 = tpu.vector_load %arg7[%get3A_633, %get3A_634] {strides = array<i32>} : memref<1280x32xf32, #tpu.memory_space<vmem>>, vector<1x16xf32>,
        %get3A_636 = vector.shape_cast %get3A_635 : vector<1x16xf32> to vector<16xf32>
        %add3A_637 = arith.addf %add3A_623, %get3A_636 : vector<16xf32>
        %add3A_638 = arith.constant 10 : i32
        %add3A_639 = arith.addi %mul3A_497, %add3A_638 : i32
        %get3A_640 = arith.index_cast %add3A_639 : i32 to index
        %get3A_641 = arith.constant 16 : index
        %get3A_642 = tpu.vector_load %arg7[%get3A_640, %get3A_641] {strides = array<i32>} : memref<1280x32xf32, #tpu.memory_space<vmem>>, vector<1x16xf32>,
        %get3A_643 = vector.shape_cast %get3A_642 : vector<1x16xf32> to vector<16xf32>
        %add3A_644 = arith.addf %add3A_630, %get3A_643 : vector<16xf32>
        %add3A_645 = arith.constant 11 : i32
        %add3A_646 = arith.addi %mul3A_497, %add3A_645 : i32
        %get3A_647 = arith.index_cast %add3A_646 : i32 to index
        %get3A_648 = arith.constant 0 : index
        %get3A_649 = tpu.vector_load %arg7[%get3A_647, %get3A_648] {strides = array<i32>} : memref<1280x32xf32, #tpu.memory_space<vmem>>, vector<1x16xf32>,
        %get3A_650 = vector.shape_cast %get3A_649 : vector<1x16xf32> to vector<16xf32>
        %add3A_651 = arith.addf %add3A_637, %get3A_650 : vector<16xf32>
        %add3A_652 = arith.constant 11 : i32
        %add3A_653 = arith.addi %mul3A_497, %add3A_652 : i32
        %get3A_654 = arith.index_cast %add3A_653 : i32 to index
        %get3A_655 = arith.constant 16 : index
        %get3A_656 = tpu.vector_load %arg7[%get3A_654, %get3A_655] {strides = array<i32>} : memref<1280x32xf32, #tpu.memory_space<vmem>>, vector<1x16xf32>,
        %get3A_657 = vector.shape_cast %get3A_656 : vector<1x16xf32> to vector<16xf32>
        %add3A_658 = arith.addf %add3A_644, %get3A_657 : vector<16xf32>
        %add3A_659 = arith.constant 12 : i32
        %add3A_660 = arith.addi %mul3A_497, %add3A_659 : i32
        %get3A_661 = arith.index_cast %add3A_660 : i32 to index
        %get3A_662 = arith.constant 0 : index
        %get3A_663 = tpu.vector_load %arg7[%get3A_661, %get3A_662] {strides = array<i32>} : memref<1280x32xf32, #tpu.memory_space<vmem>>, vector<1x16xf32>,
        %get3A_664 = vector.shape_cast %get3A_663 : vector<1x16xf32> to vector<16xf32>
        %add3A_665 = arith.addf %add3A_651, %get3A_664 : vector<16xf32>
        %add3A_666 = arith.constant 12 : i32
        %add3A_667 = arith.addi %mul3A_497, %add3A_666 : i32
        %get3A_668 = arith.index_cast %add3A_667 : i32 to index
        %get3A_669 = arith.constant 16 : index
        %get3A_670 = tpu.vector_load %arg7[%get3A_668, %get3A_669] {strides = array<i32>} : memref<1280x32xf32, #tpu.memory_space<vmem>>, vector<1x16xf32>,
        %get3A_671 = vector.shape_cast %get3A_670 : vector<1x16xf32> to vector<16xf32>
        %add3A_672 = arith.addf %add3A_658, %get3A_671 : vector<16xf32>
        %add3A_673 = arith.constant 13 : i32
        %add3A_674 = arith.addi %mul3A_497, %add3A_673 : i32
        %get3A_675 = arith.index_cast %add3A_674 : i32 to index
        %get3A_676 = arith.constant 0 : index
        %get3A_677 = tpu.vector_load %arg7[%get3A_675, %get3A_676] {strides = array<i32>} : memref<1280x32xf32, #tpu.memory_space<vmem>>, vector<1x16xf32>,
        %get3A_678 = vector.shape_cast %get3A_677 : vector<1x16xf32> to vector<16xf32>
        %add3A_679 = arith.addf %add3A_665, %get3A_678 : vector<16xf32>
        %add3A_680 = arith.constant 13 : i32
        %add3A_681 = arith.addi %mul3A_497, %add3A_680 : i32
        %get3A_682 = arith.index_cast %add3A_681 : i32 to index
        %get3A_683 = arith.constant 16 : index
        %get3A_684 = tpu.vector_load %arg7[%get3A_682, %get3A_683] {strides = array<i32>} : memref<1280x32xf32, #tpu.memory_space<vmem>>, vector<1x16xf32>,
        %get3A_685 = vector.shape_cast %get3A_684 : vector<1x16xf32> to vector<16xf32>
        %add3A_686 = arith.addf %add3A_672, %get3A_685 : vector<16xf32>
        %add3A_687 = arith.constant 14 : i32
        %add3A_688 = arith.addi %mul3A_497, %add3A_687 : i32
        %get3A_689 = arith.index_cast %add3A_688 : i32 to index
        %get3A_690 = arith.constant 0 : index
        %get3A_691 = tpu.vector_load %arg7[%get3A_689, %get3A_690] {strides = array<i32>} : memref<1280x32xf32, #tpu.memory_space<vmem>>, vector<1x16xf32>,
        %get3A_692 = vector.shape_cast %get3A_691 : vector<1x16xf32> to vector<16xf32>
        %add3A_693 = arith.addf %add3A_679, %get3A_692 : vector<16xf32>
        %add3A_694 = arith.constant 14 : i32
        %add3A_695 = arith.addi %mul3A_497, %add3A_694 : i32
        %get3A_696 = arith.index_cast %add3A_695 : i32 to index
        %get3A_697 = arith.constant 16 : index
        %get3A_698 = tpu.vector_load %arg7[%get3A_696, %get3A_697] {strides = array<i32>} : memref<1280x32xf32, #tpu.memory_space<vmem>>, vector<1x16xf32>,
        %get3A_699 = vector.shape_cast %get3A_698 : vector<1x16xf32> to vector<16xf32>
        %add3A_700 = arith.addf %add3A_686, %get3A_699 : vector<16xf32>
        %add3A_701 = arith.constant 15 : i32
        %add3A_702 = arith.addi %mul3A_497, %add3A_701 : i32
        %get3A_703 = arith.index_cast %add3A_702 : i32 to index
        %get3A_704 = arith.constant 0 : index
        %get3A_705 = tpu.vector_load %arg7[%get3A_703, %get3A_704] {strides = array<i32>} : memref<1280x32xf32, #tpu.memory_space<vmem>>, vector<1x16xf32>,
        %get3A_706 = vector.shape_cast %get3A_705 : vector<1x16xf32> to vector<16xf32>
        %add3A_707 = arith.addf %add3A_693, %get3A_706 : vector<16xf32>
        %add3A_708 = arith.constant 15 : i32
        %add3A_709 = arith.addi %mul3A_497, %add3A_708 : i32
        %get3A_710 = arith.index_cast %add3A_709 : i32 to index
        %get3A_711 = arith.constant 16 : index
        %get3A_712 = tpu.vector_load %arg7[%get3A_710, %get3A_711] {strides = array<i32>} : memref<1280x32xf32, #tpu.memory_space<vmem>>, vector<1x16xf32>,
        %get3A_713 = vector.shape_cast %get3A_712 : vector<1x16xf32> to vector<16xf32>
        %add3A_714 = arith.addf %add3A_700, %get3A_713 : vector<16xf32>
        %add3A_715 = arith.constant 16 : i32
        %add3A_716 = arith.addi %mul3A_497, %add3A_715 : i32
        %get3A_717 = arith.index_cast %add3A_716 : i32 to index
        %get3A_718 = arith.constant 0 : index
        %get3A_719 = tpu.vector_load %arg7[%get3A_717, %get3A_718] {strides = array<i32>} : memref<1280x32xf32, #tpu.memory_space<vmem>>, vector<1x16xf32>,
        %get3A_720 = vector.shape_cast %get3A_719 : vector<1x16xf32> to vector<16xf32>
        %add3A_721 = arith.addf %add3A_707, %get3A_720 : vector<16xf32>
        %add3A_722 = arith.constant 16 : i32
        %add3A_723 = arith.addi %mul3A_497, %add3A_722 : i32
        %get3A_724 = arith.index_cast %add3A_723 : i32 to index
        %get3A_725 = arith.constant 16 : index
        %get3A_726 = tpu.vector_load %arg7[%get3A_724, %get3A_725] {strides = array<i32>} : memref<1280x32xf32, #tpu.memory_space<vmem>>, vector<1x16xf32>,
        %get3A_727 = vector.shape_cast %get3A_726 : vector<1x16xf32> to vector<16xf32>
        %add3A_728 = arith.addf %add3A_714, %get3A_727 : vector<16xf32>
        %add3A_729 = arith.constant 17 : i32
        %add3A_730 = arith.addi %mul3A_497, %add3A_729 : i32
        %get3A_731 = arith.index_cast %add3A_730 : i32 to index
        %get3A_732 = arith.constant 0 : index
        %get3A_733 = tpu.vector_load %arg7[%get3A_731, %get3A_732] {strides = array<i32>} : memref<1280x32xf32, #tpu.memory_space<vmem>>, vector<1x16xf32>,
        %get3A_734 = vector.shape_cast %get3A_733 : vector<1x16xf32> to vector<16xf32>
        %add3A_735 = arith.addf %add3A_721, %get3A_734 : vector<16xf32>
        %add3A_736 = arith.constant 17 : i32
        %add3A_737 = arith.addi %mul3A_497, %add3A_736 : i32
        %get3A_738 = arith.index_cast %add3A_737 : i32 to index
        %get3A_739 = arith.constant 16 : index
        %get3A_740 = tpu.vector_load %arg7[%get3A_738, %get3A_739] {strides = array<i32>} : memref<1280x32xf32, #tpu.memory_space<vmem>>, vector<1x16xf32>,
        %get3A_741 = vector.shape_cast %get3A_740 : vector<1x16xf32> to vector<16xf32>
        %add3A_742 = arith.addf %add3A_728, %get3A_741 : vector<16xf32>
        %add3A_743 = arith.constant 18 : i32
        %add3A_744 = arith.addi %mul3A_497, %add3A_743 : i32
        %get3A_745 = arith.index_cast %add3A_744 : i32 to index
        %get3A_746 = arith.constant 0 : index
        %get3A_747 = tpu.vector_load %arg7[%get3A_745, %get3A_746] {strides = array<i32>} : memref<1280x32xf32, #tpu.memory_space<vmem>>, vector<1x16xf32>,
        %get3A_748 = vector.shape_cast %get3A_747 : vector<1x16xf32> to vector<16xf32>
        %add3A_749 = arith.addf %add3A_735, %get3A_748 : vector<16xf32>
        %add3A_750 = arith.constant 18 : i32
        %add3A_751 = arith.addi %mul3A_497, %add3A_750 : i32
        %get3A_752 = arith.index_cast %add3A_751 : i32 to index
        %get3A_753 = arith.constant 16 : index
        %get3A_754 = tpu.vector_load %arg7[%get3A_752, %get3A_753] {strides = array<i32>} : memref<1280x32xf32, #tpu.memory_space<vmem>>, vector<1x16xf32>,
        %get3A_755 = vector.shape_cast %get3A_754 : vector<1x16xf32> to vector<16xf32>
        %add3A_756 = arith.addf %add3A_742, %get3A_755 : vector<16xf32>
        %add3A_757 = arith.constant 19 : i32
        %add3A_758 = arith.addi %mul3A_497, %add3A_757 : i32
        %get3A_759 = arith.index_cast %add3A_758 : i32 to index
        %get3A_760 = arith.constant 0 : index
        %get3A_761 = tpu.vector_load %arg7[%get3A_759, %get3A_760] {strides = array<i32>} : memref<1280x32xf32, #tpu.memory_space<vmem>>, vector<1x16xf32>,
        %get3A_762 = vector.shape_cast %get3A_761 : vector<1x16xf32> to vector<16xf32>
        %add3A_763 = arith.addf %add3A_749, %get3A_762 : vector<16xf32>
        %add3A_764 = arith.constant 19 : i32
        %add3A_765 = arith.addi %mul3A_497, %add3A_764 : i32
        %get3A_766 = arith.index_cast %add3A_765 : i32 to index
        %get3A_767 = arith.constant 16 : index
        %get3A_768 = tpu.vector_load %arg7[%get3A_766, %get3A_767] {strides = array<i32>} : memref<1280x32xf32, #tpu.memory_space<vmem>>, vector<1x16xf32>,
        %get3A_769 = vector.shape_cast %get3A_768 : vector<1x16xf32> to vector<16xf32>
        %add3A_770 = arith.addf %add3A_756, %get3A_769 : vector<16xf32>
        %swap3A = arith.index_cast %add3A_495 : i32 to index
        %swap3A_771 = arith.constant 0 : index
        %swap3A_772 = tpu.vector_load %arg9[%swap3A, %swap3A_771] {strides = array<i32>} : memref<64x32xf32, #tpu.memory_space<vmem>>, vector<1x16xf32>,
        %swap3A_773 = vector.shape_cast %swap3A_772 : vector<1x16xf32> to vector<16xf32>
        %swap3A_774 = vector.shape_cast %add3A_763 : vector<16xf32> to vector<1x16xf32>
        tpu.vector_store %arg9[%swap3A, %swap3A_771], %swap3A_774 {strides = array<i32>} : memref<64x32xf32, #tpu.memory_space<vmem>>, vector<1x16xf32>,
        %swap3A_775 = arith.index_cast %add3A_495 : i32 to index
        %swap3A_776 = arith.constant 16 : index
        %swap3A_777 = tpu.vector_load %arg9[%swap3A_775, %swap3A_776] {strides = array<i32>} : memref<64x32xf32, #tpu.memory_space<vmem>>, vector<1x16xf32>,
        %swap3A_778 = vector.shape_cast %swap3A_777 : vector<1x16xf32> to vector<16xf32>
        %swap3A_779 = vector.shape_cast %add3A_770 : vector<16xf32> to vector<1x16xf32>
        tpu.vector_store %arg9[%swap3A_775, %swap3A_776], %swap3A_779 {strides = array<i32>} : memref<64x32xf32, #tpu.memory_space<vmem>>, vector<1x16xf32>,
      }
      %scan3A_271 = arith.constant 64 : i32
      %mul3A_272 = arith.constant 128 : i32
      %mul3A_273 = arith.muli %add3A, %mul3A_272 : i32
      %jit3A = arith.constant 2 : i32
      %eq3A = arith.constant 0 : i32
      %eq3A_274 = arith.cmpi eq, %jit3A, %eq3A : i32
      %jit3A_275 = arith.constant 1 : i32
      %select_n3A = arith.select %eq3A_274, %jit3A_275, %jit3A : i32
      %rem3A = arith.remsi %add3A_151, %select_n3A : i32
      %ne3A = arith.constant 0 : i32
      %ne3A_276 = arith.cmpi ne, %rem3A, %ne3A : i32
      %lt3A_277 = arith.constant 0 : i32
      %lt3A_278 = arith.cmpi slt, %rem3A, %lt3A_277 : i32
      %lt3A_279 = arith.constant 0 : i32
      %lt3A_280 = arith.cmpi slt, %select_n3A, %lt3A_279 : i32
      %ne3A_281 = arith.xori %lt3A_278, %lt3A_280 : i1
      %and3A = arith.andi %ne3A_281, %ne3A_276 : i1
      %add3A_282 = arith.addi %rem3A, %select_n3A : i32
      %select_n3A_283 = arith.select %and3A, %add3A_282, %rem3A : i32
      %mul3A_284 = arith.constant 64 : i32
      %mul3A_285 = arith.muli %select_n3A_283, %mul3A_284 : i32
      %add3A_286 = arith.addi %mul3A_273, %mul3A_285 : i32
      %jit3A_287 = arith.constant 2 : i32
      %div3A = arith.divsi %add3A_151, %jit3A_287 : i32
      %sign3A = arith.constant 0 : i32
      %sign3A_288 = arith.cmpi sgt, %add3A_151, %sign3A : i32
      %sign3A_289 = arith.extui %sign3A_288 : i1 to i32
      %sign3A_290 = arith.constant 0 : i32
      %sign3A_291 = arith.cmpi slt, %add3A_151, %sign3A_290 : i32
      %sign3A_292 = arith.extui %sign3A_291 : i1 to i32
      %sign3A_293 = arith.subi %sign3A_289, %sign3A_292 : i32
      %sign3A_294 = arith.constant 0 : i32
      %sign3A_295 = arith.cmpi sgt, %jit3A_287, %sign3A_294 : i32
      %sign3A_296 = arith.extui %sign3A_295 : i1 to i32
      %sign3A_297 = arith.constant 0 : i32
      %sign3A_298 = arith.cmpi slt, %jit3A_287, %sign3A_297 : i32
      %sign3A_299 = arith.extui %sign3A_298 : i1 to i32
      %sign3A_300 = arith.subi %sign3A_296, %sign3A_299 : i32
      %ne3A_301 = arith.cmpi ne, %sign3A_293, %sign3A_300 : i32
      %rem3A_302 = arith.remsi %add3A_151, %jit3A_287 : i32
      %ne3A_303 = arith.constant 0 : i32
      %ne3A_304 = arith.cmpi ne, %rem3A_302, %ne3A_303 : i32
      %and3A_305 = arith.andi %ne3A_301, %ne3A_304 : i1
      %sub3A = arith.constant 1 : i32
      %sub3A_306 = arith.subi %div3A, %sub3A : i32
      %select_n3A_307 = arith.select %and3A_305, %sub3A_306, %div3A : i32
      %dma_start3A_308 = arith.constant 0 : i32
      %dma_start3A_309 = tpu.memref_slice %arg4[%add3A_286, %select_n3A_307, %dma_start3A_308] : memref<4096x13x32xf32, #tpu.memory_space<hbm>> -> memref<64x1x32xf32, #tpu.memory_space<hbm>>
      %dma_start3A_310 = tpu.memref_squeeze %dma_start3A_309 : memref<64x1x32xf32, #tpu.memory_space<hbm>> -> memref<64x32xf32, #tpu.memory_space<hbm>>
      %dma_start3A_311 = arith.constant 0 : i32
      %dma_start3A_312 = tpu.memref_slice %arg4[%add3A_286, %select_n3A_307, %dma_start3A_311] : memref<4096x13x32xf32, #tpu.memory_space<hbm>> -> memref<64x1x32xf32, #tpu.memory_space<hbm>>
      %dma_start3A_313 = tpu.memref_squeeze %dma_start3A_312 : memref<64x1x32xf32, #tpu.memory_space<hbm>> -> memref<64x32xf32, #tpu.memory_space<hbm>>
      tpu.enqueue_dma source(%arg9 : memref<64x32xf32, #tpu.memory_space<vmem>>) target(%dma_start3A_313 : memref<64x32xf32, #tpu.memory_space<hbm>>) target_semaphore(%arg15 : memref<!tpu.dma_semaphore, #tpu.memory_space<semaphore_mem>>)
      %add3A_314 = arith.constant 1 : i32
      %add3A_315 = arith.addi %add3A_149, %add3A_314 : i32
      %dma_wait3A_316 = arith.constant 0 : i32
      %dma_wait3A_317 = arith.constant 0 : i32
      %dma_wait3A_318 = arith.constant 0 : i32
      %dma_wait3A_319 = tpu.memref_slice %arg8[%dma_wait3A_317, %dma_wait3A_318] : memref<1280x32xf32, #tpu.memory_space<vmem>> -> memref<128x32xf32, #tpu.memory_space<vmem>>
      %dma_wait3A_320 = arith.constant 0 : i32
      %dma_wait3A_321 = tpu.memref_slice %arg6[%dma_wait3A_316, %dma_wait3A_320] : memref<10x128xi32, #tpu.memory_space<vmem>> -> memref<1x128xi32, #tpu.memory_space<vmem>>
      %dma_wait3A_322 = tpu.memref_squeeze %dma_wait3A_321 : memref<1x128xi32, #tpu.memory_space<vmem>> -> memref<128xi32, #tpu.memory_space<vmem>>
      %dma_wait3A_323 = arith.constant 0 : i32
      %dma_wait3A_324 = arith.constant 0 : i32
      %dma_wait3A_325 = tpu.memref_slice %arg3[%dma_wait3A_323, %dma_wait3A_324] : memref<1703936x32xf32, #tpu.memory_space<hbm>> -> memref<1703936x32xf32, #tpu.memory_space<hbm>>
      tpu.wait_indirect_dma semaphore(%arg14 : memref<!tpu.dma_semaphore, #tpu.memory_space<semaphore_mem>>) src(%dma_wait3A_325 : memref<1703936x32xf32, #tpu.memory_space<hbm>>) dst(%dma_wait3A_319 : memref<128x32xf32, #tpu.memory_space<vmem>>)
      %dma_wait3A_326 = arith.constant 1 : i32
      %dma_wait3A_327 = arith.constant 128 : i32
      %dma_wait3A_328 = arith.constant 0 : i32
      %dma_wait3A_329 = tpu.memref_slice %arg8[%dma_wait3A_327, %dma_wait3A_328] : memref<1280x32xf32, #tpu.memory_space<vmem>> -> memref<128x32xf32, #tpu.memory_space<vmem>>
      %dma_wait3A_330 = arith.constant 0 : i32
      %dma_wait3A_331 = tpu.memref_slice %arg6[%dma_wait3A_326, %dma_wait3A_330] : memref<10x128xi32, #tpu.memory_space<vmem>> -> memref<1x128xi32, #tpu.memory_space<vmem>>
      %dma_wait3A_332 = tpu.memref_squeeze %dma_wait3A_331 : memref<1x128xi32, #tpu.memory_space<vmem>> -> memref<128xi32, #tpu.memory_space<vmem>>
      %dma_wait3A_333 = arith.constant 0 : i32
      %dma_wait3A_334 = arith.constant 0 : i32
      %dma_wait3A_335 = tpu.memref_slice %arg3[%dma_wait3A_333, %dma_wait3A_334] : memref<1703936x32xf32, #tpu.memory_space<hbm>> -> memref<1703936x32xf32, #tpu.memory_space<hbm>>
      tpu.wait_indirect_dma semaphore(%arg14 : memref<!tpu.dma_semaphore, #tpu.memory_space<semaphore_mem>>) src(%dma_wait3A_335 : memref<1703936x32xf32, #tpu.memory_space<hbm>>) dst(%dma_wait3A_329 : memref<128x32xf32, #tpu.memory_space<vmem>>)
      %dma_wait3A_336 = arith.constant 2 : i32
      %dma_wait3A_337 = arith.constant 256 : i32
      %dma_wait3A_338 = arith.constant 0 : i32
      %dma_wait3A_339 = tpu.memref_slice %arg8[%dma_wait3A_337, %dma_wait3A_338] : memref<1280x32xf32, #tpu.memory_space<vmem>> -> memref<128x32xf32, #tpu.memory_space<vmem>>
      %dma_wait3A_340 = arith.constant 0 : i32
      %dma_wait3A_341 = tpu.memref_slice %arg6[%dma_wait3A_336, %dma_wait3A_340] : memref<10x128xi32, #tpu.memory_space<vmem>> -> memref<1x128xi32, #tpu.memory_space<vmem>>
      %dma_wait3A_342 = tpu.memref_squeeze %dma_wait3A_341 : memref<1x128xi32, #tpu.memory_space<vmem>> -> memref<128xi32, #tpu.memory_space<vmem>>
      %dma_wait3A_343 = arith.constant 0 : i32
      %dma_wait3A_344 = arith.constant 0 : i32
      %dma_wait3A_345 = tpu.memref_slice %arg3[%dma_wait3A_343, %dma_wait3A_344] : memref<1703936x32xf32, #tpu.memory_space<hbm>> -> memref<1703936x32xf32, #tpu.memory_space<hbm>>
      tpu.wait_indirect_dma semaphore(%arg14 : memref<!tpu.dma_semaphore, #tpu.memory_space<semaphore_mem>>) src(%dma_wait3A_345 : memref<1703936x32xf32, #tpu.memory_space<hbm>>) dst(%dma_wait3A_339 : memref<128x32xf32, #tpu.memory_space<vmem>>)
      %dma_wait3A_346 = arith.constant 3 : i32
      %dma_wait3A_347 = arith.constant 384 : i32
      %dma_wait3A_348 = arith.constant 0 : i32
      %dma_wait3A_349 = tpu.memref_slice %arg8[%dma_wait3A_347, %dma_wait3A_348] : memref<1280x32xf32, #tpu.memory_space<vmem>> -> memref<128x32xf32, #tpu.memory_space<vmem>>
      %dma_wait3A_350 = arith.constant 0 : i32
      %dma_wait3A_351 = tpu.memref_slice %arg6[%dma_wait3A_346, %dma_wait3A_350] : memref<10x128xi32, #tpu.memory_space<vmem>> -> memref<1x128xi32, #tpu.memory_space<vmem>>
      %dma_wait3A_352 = tpu.memref_squeeze %dma_wait3A_351 : memref<1x128xi32, #tpu.memory_space<vmem>> -> memref<128xi32, #tpu.memory_space<vmem>>
      %dma_wait3A_353 = arith.constant 0 : i32
      %dma_wait3A_354 = arith.constant 0 : i32
      %dma_wait3A_355 = tpu.memref_slice %arg3[%dma_wait3A_353, %dma_wait3A_354] : memref<1703936x32xf32, #tpu.memory_space<hbm>> -> memref<1703936x32xf32, #tpu.memory_space<hbm>>
      tpu.wait_indirect_dma semaphore(%arg14 : memref<!tpu.dma_semaphore, #tpu.memory_space<semaphore_mem>>) src(%dma_wait3A_355 : memref<1703936x32xf32, #tpu.memory_space<hbm>>) dst(%dma_wait3A_349 : memref<128x32xf32, #tpu.memory_space<vmem>>)
      %dma_wait3A_356 = arith.constant 4 : i32
      %dma_wait3A_357 = arith.constant 512 : i32
      %dma_wait3A_358 = arith.constant 0 : i32
      %dma_wait3A_359 = tpu.memref_slice %arg8[%dma_wait3A_357, %dma_wait3A_358] : memref<1280x32xf32, #tpu.memory_space<vmem>> -> memref<128x32xf32, #tpu.memory_space<vmem>>
      %dma_wait3A_360 = arith.constant 0 : i32
      %dma_wait3A_361 = tpu.memref_slice %arg6[%dma_wait3A_356, %dma_wait3A_360] : memref<10x128xi32, #tpu.memory_space<vmem>> -> memref<1x128xi32, #tpu.memory_space<vmem>>
      %dma_wait3A_362 = tpu.memref_squeeze %dma_wait3A_361 : memref<1x128xi32, #tpu.memory_space<vmem>> -> memref<128xi32, #tpu.memory_space<vmem>>
      %dma_wait3A_363 = arith.constant 0 : i32
      %dma_wait3A_364 = arith.constant 0 : i32
      %dma_wait3A_365 = tpu.memref_slice %arg3[%dma_wait3A_363, %dma_wait3A_364] : memref<1703936x32xf32, #tpu.memory_space<hbm>> -> memref<1703936x32xf32, #tpu.memory_space<hbm>>
      tpu.wait_indirect_dma semaphore(%arg14 : memref<!tpu.dma_semaphore, #tpu.memory_space<semaphore_mem>>) src(%dma_wait3A_365 : memref<1703936x32xf32, #tpu.memory_space<hbm>>) dst(%dma_wait3A_359 : memref<128x32xf32, #tpu.memory_space<vmem>>)
      %dma_wait3A_366 = arith.constant 5 : i32
      %dma_wait3A_367 = arith.constant 640 : i32
      %dma_wait3A_368 = arith.constant 0 : i32
      %dma_wait3A_369 = tpu.memref_slice %arg8[%dma_wait3A_367, %dma_wait3A_368] : memref<1280x32xf32, #tpu.memory_space<vmem>> -> memref<128x32xf32, #tpu.memory_space<vmem>>
      %dma_wait3A_370 = arith.constant 0 : i32
      %dma_wait3A_371 = tpu.memref_slice %arg6[%dma_wait3A_366, %dma_wait3A_370] : memref<10x128xi32, #tpu.memory_space<vmem>> -> memref<1x128xi32, #tpu.memory_space<vmem>>
      %dma_wait3A_372 = tpu.memref_squeeze %dma_wait3A_371 : memref<1x128xi32, #tpu.memory_space<vmem>> -> memref<128xi32, #tpu.memory_space<vmem>>
      %dma_wait3A_373 = arith.constant 0 : i32
      %dma_wait3A_374 = arith.constant 0 : i32
      %dma_wait3A_375 = tpu.memref_slice %arg3[%dma_wait3A_373, %dma_wait3A_374] : memref<1703936x32xf32, #tpu.memory_space<hbm>> -> memref<1703936x32xf32, #tpu.memory_space<hbm>>
      tpu.wait_indirect_dma semaphore(%arg14 : memref<!tpu.dma_semaphore, #tpu.memory_space<semaphore_mem>>) src(%dma_wait3A_375 : memref<1703936x32xf32, #tpu.memory_space<hbm>>) dst(%dma_wait3A_369 : memref<128x32xf32, #tpu.memory_space<vmem>>)
      %dma_wait3A_376 = arith.constant 6 : i32
      %dma_wait3A_377 = arith.constant 768 : i32
      %dma_wait3A_378 = arith.constant 0 : i32
      %dma_wait3A_379 = tpu.memref_slice %arg8[%dma_wait3A_377, %dma_wait3A_378] : memref<1280x32xf32, #tpu.memory_space<vmem>> -> memref<128x32xf32, #tpu.memory_space<vmem>>
      %dma_wait3A_380 = arith.constant 0 : i32
      %dma_wait3A_381 = tpu.memref_slice %arg6[%dma_wait3A_376, %dma_wait3A_380] : memref<10x128xi32, #tpu.memory_space<vmem>> -> memref<1x128xi32, #tpu.memory_space<vmem>>
      %dma_wait3A_382 = tpu.memref_squeeze %dma_wait3A_381 : memref<1x128xi32, #tpu.memory_space<vmem>> -> memref<128xi32, #tpu.memory_space<vmem>>
      %dma_wait3A_383 = arith.constant 0 : i32
      %dma_wait3A_384 = arith.constant 0 : i32
      %dma_wait3A_385 = tpu.memref_slice %arg3[%dma_wait3A_383, %dma_wait3A_384] : memref<1703936x32xf32, #tpu.memory_space<hbm>> -> memref<1703936x32xf32, #tpu.memory_space<hbm>>
      tpu.wait_indirect_dma semaphore(%arg14 : memref<!tpu.dma_semaphore, #tpu.memory_space<semaphore_mem>>) src(%dma_wait3A_385 : memref<1703936x32xf32, #tpu.memory_space<hbm>>) dst(%dma_wait3A_379 : memref<128x32xf32, #tpu.memory_space<vmem>>)
      %dma_wait3A_386 = arith.constant 7 : i32
      %dma_wait3A_387 = arith.constant 896 : i32
      %dma_wait3A_388 = arith.constant 0 : i32
      %dma_wait3A_389 = tpu.memref_slice %arg8[%dma_wait3A_387, %dma_wait3A_388] : memref<1280x32xf32, #tpu.memory_space<vmem>> -> memref<128x32xf32, #tpu.memory_space<vmem>>
      %dma_wait3A_390 = arith.constant 0 : i32
      %dma_wait3A_391 = tpu.memref_slice %arg6[%dma_wait3A_386, %dma_wait3A_390] : memref<10x128xi32, #tpu.memory_space<vmem>> -> memref<1x128xi32, #tpu.memory_space<vmem>>
      %dma_wait3A_392 = tpu.memref_squeeze %dma_wait3A_391 : memref<1x128xi32, #tpu.memory_space<vmem>> -> memref<128xi32, #tpu.memory_space<vmem>>
      %dma_wait3A_393 = arith.constant 0 : i32
      %dma_wait3A_394 = arith.constant 0 : i32
      %dma_wait3A_395 = tpu.memref_slice %arg3[%dma_wait3A_393, %dma_wait3A_394] : memref<1703936x32xf32, #tpu.memory_space<hbm>> -> memref<1703936x32xf32, #tpu.memory_space<hbm>>
      tpu.wait_indirect_dma semaphore(%arg14 : memref<!tpu.dma_semaphore, #tpu.memory_space<semaphore_mem>>) src(%dma_wait3A_395 : memref<1703936x32xf32, #tpu.memory_space<hbm>>) dst(%dma_wait3A_389 : memref<128x32xf32, #tpu.memory_space<vmem>>)
      %dma_wait3A_396 = arith.constant 8 : i32
      %dma_wait3A_397 = arith.constant 1024 : i32
      %dma_wait3A_398 = arith.constant 0 : i32
      %dma_wait3A_399 = tpu.memref_slice %arg8[%dma_wait3A_397, %dma_wait3A_398] : memref<1280x32xf32, #tpu.memory_space<vmem>> -> memref<128x32xf32, #tpu.memory_space<vmem>>
      %dma_wait3A_400 = arith.constant 0 : i32
      %dma_wait3A_401 = tpu.memref_slice %arg6[%dma_wait3A_396, %dma_wait3A_400] : memref<10x128xi32, #tpu.memory_space<vmem>> -> memref<1x128xi32, #tpu.memory_space<vmem>>
      %dma_wait3A_402 = tpu.memref_squeeze %dma_wait3A_401 : memref<1x128xi32, #tpu.memory_space<vmem>> -> memref<128xi32, #tpu.memory_space<vmem>>
      %dma_wait3A_403 = arith.constant 0 : i32
      %dma_wait3A_404 = arith.constant 0 : i32
      %dma_wait3A_405 = tpu.memref_slice %arg3[%dma_wait3A_403, %dma_wait3A_404] : memref<1703936x32xf32, #tpu.memory_space<hbm>> -> memref<1703936x32xf32, #tpu.memory_space<hbm>>
      tpu.wait_indirect_dma semaphore(%arg14 : memref<!tpu.dma_semaphore, #tpu.memory_space<semaphore_mem>>) src(%dma_wait3A_405 : memref<1703936x32xf32, #tpu.memory_space<hbm>>) dst(%dma_wait3A_399 : memref<128x32xf32, #tpu.memory_space<vmem>>)
      %dma_wait3A_406 = arith.constant 9 : i32
      %dma_wait3A_407 = arith.constant 1152 : i32
      %dma_wait3A_408 = arith.constant 0 : i32
      %dma_wait3A_409 = tpu.memref_slice %arg8[%dma_wait3A_407, %dma_wait3A_408] : memref<1280x32xf32, #tpu.memory_space<vmem>> -> memref<128x32xf32, #tpu.memory_space<vmem>>
      %dma_wait3A_410 = arith.constant 0 : i32
      %dma_wait3A_411 = tpu.memref_slice %arg6[%dma_wait3A_406, %dma_wait3A_410] : memref<10x128xi32, #tpu.memory_space<vmem>> -> memref<1x128xi32, #tpu.memory_space<vmem>>
      %dma_wait3A_412 = tpu.memref_squeeze %dma_wait3A_411 : memref<1x128xi32, #tpu.memory_space<vmem>> -> memref<128xi32, #tpu.memory_space<vmem>>
      %dma_wait3A_413 = arith.constant 0 : i32
      %dma_wait3A_414 = arith.constant 0 : i32
      %dma_wait3A_415 = tpu.memref_slice %arg3[%dma_wait3A_413, %dma_wait3A_414] : memref<1703936x32xf32, #tpu.memory_space<hbm>> -> memref<1703936x32xf32, #tpu.memory_space<hbm>>
      tpu.wait_indirect_dma semaphore(%arg14 : memref<!tpu.dma_semaphore, #tpu.memory_space<semaphore_mem>>) src(%dma_wait3A_415 : memref<1703936x32xf32, #tpu.memory_space<hbm>>) dst(%dma_wait3A_409 : memref<128x32xf32, #tpu.memory_space<vmem>>)
      %add3A_416 = arith.constant 2 : i32
      %add3A_417 = arith.addi %add3A_315, %add3A_416 : i32
      %lt3A_418 = arith.constant 26 : i32
      %lt3A_419 = arith.cmpi slt, %add3A_417, %lt3A_418 : i32
      %convert_element_type3A_420 = arith.extui %lt3A_419 : i1 to i32
      %cond3A_421 = arith.constant 0 : i32
      %cond3A_422 = arith.cmpi ne, %convert_element_type3A_420, %cond3A_421 : i32
      scf.if %cond3A_422 {
        %add3A_491 = arith.constant 2 : i32
        %add3A_492 = arith.addi %add3A_315, %add3A_491 : i32
        %jit3A_493 = arith.constant 2 : i32
        %div3A_494 = arith.divsi %add3A_492, %jit3A_493 : i32
        %sign3A_495 = arith.constant 0 : i32
        %sign3A_496 = arith.cmpi sgt, %add3A_492, %sign3A_495 : i32
        %sign3A_497 = arith.extui %sign3A_496 : i1 to i32
        %sign3A_498 = arith.constant 0 : i32
        %sign3A_499 = arith.cmpi slt, %add3A_492, %sign3A_498 : i32
        %sign3A_500 = arith.extui %sign3A_499 : i1 to i32
        %sign3A_501 = arith.subi %sign3A_497, %sign3A_500 : i32
        %sign3A_502 = arith.constant 0 : i32
        %sign3A_503 = arith.cmpi sgt, %jit3A_493, %sign3A_502 : i32
        %sign3A_504 = arith.extui %sign3A_503 : i1 to i32
        %sign3A_505 = arith.constant 0 : i32
        %sign3A_506 = arith.cmpi slt, %jit3A_493, %sign3A_505 : i32
        %sign3A_507 = arith.extui %sign3A_506 : i1 to i32
        %sign3A_508 = arith.subi %sign3A_504, %sign3A_507 : i32
        %ne3A_509 = arith.cmpi ne, %sign3A_501, %sign3A_508 : i32
        %rem3A_510 = arith.remsi %add3A_492, %jit3A_493 : i32
        %ne3A_511 = arith.constant 0 : i32
        %ne3A_512 = arith.cmpi ne, %rem3A_510, %ne3A_511 : i32
        %and3A_513 = arith.andi %ne3A_509, %ne3A_512 : i1
        %sub3A_514 = arith.constant 1 : i32
        %sub3A_515 = arith.subi %div3A_494, %sub3A_514 : i32
        %select_n3A_516 = arith.select %and3A_513, %sub3A_515, %div3A_494 : i32
        %mul3A_517 = arith.constant 64 : i32
        %mul3A_518 = arith.muli %select_n3A_516, %mul3A_517 : i32
        %mul3A_519 = arith.constant 2 : i32
        %mul3A_520 = arith.muli %add3A, %mul3A_519 : i32
        %add3A_521 = arith.addi %mul3A_518, %mul3A_520 : i32
        %jit3A_522 = arith.constant 2 : i32
        %eq3A_523 = arith.constant 0 : i32
        %eq3A_524 = arith.cmpi eq, %jit3A_522, %eq3A_523 : i32
        %jit3A_525 = arith.constant 1 : i32
        %select_n3A_526 = arith.select %eq3A_524, %jit3A_525, %jit3A_522 : i32
        %rem3A_527 = arith.remsi %add3A_492, %select_n3A_526 : i32
        %ne3A_528 = arith.constant 0 : i32
        %ne3A_529 = arith.cmpi ne, %rem3A_527, %ne3A_528 : i32
        %lt3A_530 = arith.constant 0 : i32
        %lt3A_531 = arith.cmpi slt, %rem3A_527, %lt3A_530 : i32
        %lt3A_532 = arith.constant 0 : i32
        %lt3A_533 = arith.cmpi slt, %select_n3A_526, %lt3A_532 : i32
        %ne3A_534 = arith.xori %lt3A_531, %lt3A_533 : i1
        %and3A_535 = arith.andi %ne3A_534, %ne3A_529 : i1
        %add3A_536 = arith.addi %rem3A_527, %select_n3A_526 : i32
        %select_n3A_537 = arith.select %and3A_535, %add3A_536, %rem3A_527 : i32
        %add3A_538 = arith.addi %add3A_521, %select_n3A_537 : i32
        %dma_start3A_539 = arith.constant 0 : i32
        %dma_start3A_540 = arith.constant 0 : i32
        %dma_start3A_541 = tpu.memref_slice %arg2[%add3A_538, %dma_start3A_539, %dma_start3A_540] : memref<832x10x128xi32, #tpu.memory_space<hbm>> -> memref<1x10x128xi32, #tpu.memory_space<hbm>>
        %dma_start3A_542 = tpu.memref_squeeze %dma_start3A_541 : memref<1x10x128xi32, #tpu.memory_space<hbm>> -> memref<10x128xi32, #tpu.memory_space<hbm>>
        %dma_start3A_543 = arith.constant 0 : i32
        %dma_start3A_544 = arith.constant 0 : i32
        %dma_start3A_545 = tpu.memref_slice %arg2[%add3A_538, %dma_start3A_543, %dma_start3A_544] : memref<832x10x128xi32, #tpu.memory_space<hbm>> -> memref<1x10x128xi32, #tpu.memory_space<hbm>>
        %dma_start3A_546 = tpu.memref_squeeze %dma_start3A_545 : memref<1x10x128xi32, #tpu.memory_space<hbm>> -> memref<10x128xi32, #tpu.memory_space<hbm>>
        tpu.enqueue_dma source(%dma_start3A_546 : memref<10x128xi32, #tpu.memory_space<hbm>>) target(%arg6 : memref<10x128xi32, #tpu.memory_space<vmem>>) target_semaphore(%arg12 : memref<!tpu.dma_semaphore, #tpu.memory_space<semaphore_mem>>)
      } else {
      }
      %add3A_423 = arith.constant 1 : i32
      %add3A_424 = arith.addi %add3A_315, %add3A_423 : i32
      %lt3A_425 = arith.constant 26 : i32
      %lt3A_426 = arith.cmpi slt, %add3A_424, %lt3A_425 : i32
      %convert_element_type3A_427 = arith.extui %lt3A_426 : i1 to i32
      %cond3A_428 = arith.constant 0 : i32
      %cond3A_429 = arith.cmpi ne, %convert_element_type3A_427, %cond3A_428 : i32
      scf.if %cond3A_429 {
        %dma_wait3A_491 = arith.constant 0 : i32
        %dma_wait3A_492 = arith.constant 0 : i32
        %dma_wait3A_493 = arith.constant 0 : i32
        %dma_wait3A_494 = tpu.memref_slice %arg2[%dma_wait3A_491, %dma_wait3A_492, %dma_wait3A_493] : memref<832x10x128xi32, #tpu.memory_space<hbm>> -> memref<1x10x128xi32, #tpu.memory_space<hbm>>
        %dma_wait3A_495 = tpu.memref_squeeze %dma_wait3A_494 : memref<1x10x128xi32, #tpu.memory_space<hbm>> -> memref<10x128xi32, #tpu.memory_space<hbm>>
        %dma_wait3A_496 = arith.constant 0 : i32
        %dma_wait3A_497 = arith.constant 0 : i32
        %dma_wait3A_498 = tpu.memref_slice %arg2[%dma_wait3A_491, %dma_wait3A_496, %dma_wait3A_497] : memref<832x10x128xi32, #tpu.memory_space<hbm>> -> memref<1x10x128xi32, #tpu.memory_space<hbm>>
        %dma_wait3A_499 = tpu.memref_squeeze %dma_wait3A_498 : memref<1x10x128xi32, #tpu.memory_space<hbm>> -> memref<10x128xi32, #tpu.memory_space<hbm>>
        tpu.wait_dma2 semaphore(%arg11 : memref<!tpu.dma_semaphore, #tpu.memory_space<semaphore_mem>>) src(%dma_wait3A_499 : memref<10x128xi32, #tpu.memory_space<hbm>>) dst(%arg5 : memref<10x128xi32, #tpu.memory_space<vmem>>)
        %dma_start3A_500 = arith.constant 0 : i32
        %dma_start3A_501 = arith.constant 0 : i32
        %dma_start3A_502 = arith.constant 0 : i32
        %dma_start3A_503 = tpu.memref_slice %arg7[%dma_start3A_501, %dma_start3A_502] : memref<1280x32xf32, #tpu.memory_space<vmem>> -> memref<128x32xf32, #tpu.memory_space<vmem>>
        %dma_start3A_504 = arith.constant 0 : i32
        %dma_start3A_505 = tpu.memref_slice %arg5[%dma_start3A_500, %dma_start3A_504] : memref<10x128xi32, #tpu.memory_space<vmem>> -> memref<1x128xi32, #tpu.memory_space<vmem>>
        %dma_start3A_506 = tpu.memref_squeeze %dma_start3A_505 : memref<1x128xi32, #tpu.memory_space<vmem>> -> memref<128xi32, #tpu.memory_space<vmem>>
        %dma_start3A_507 = arith.constant 0 : i32
        %dma_start3A_508 = arith.constant 0 : i32
        %dma_start3A_509 = tpu.memref_slice %arg3[%dma_start3A_507, %dma_start3A_508] : memref<1703936x32xf32, #tpu.memory_space<hbm>> -> memref<1703936x32xf32, #tpu.memory_space<hbm>>
        tpu.enqueue_indirect_dma source(%dma_start3A_509 : memref<1703936x32xf32, #tpu.memory_space<hbm>>) target(%dma_start3A_503 : memref<128x32xf32, #tpu.memory_space<vmem>>) offsets(%dma_start3A_506 : memref<128xi32, #tpu.memory_space<vmem>>) semaphore(%arg13 : memref<!tpu.dma_semaphore, #tpu.memory_space<semaphore_mem>>)
        %dma_start3A_510 = arith.constant 1 : i32
        %dma_start3A_511 = arith.constant 128 : i32
        %dma_start3A_512 = arith.constant 0 : i32
        %dma_start3A_513 = tpu.memref_slice %arg7[%dma_start3A_511, %dma_start3A_512] : memref<1280x32xf32, #tpu.memory_space<vmem>> -> memref<128x32xf32, #tpu.memory_space<vmem>>
        %dma_start3A_514 = arith.constant 0 : i32
        %dma_start3A_515 = tpu.memref_slice %arg5[%dma_start3A_510, %dma_start3A_514] : memref<10x128xi32, #tpu.memory_space<vmem>> -> memref<1x128xi32, #tpu.memory_space<vmem>>
        %dma_start3A_516 = tpu.memref_squeeze %dma_start3A_515 : memref<1x128xi32, #tpu.memory_space<vmem>> -> memref<128xi32, #tpu.memory_space<vmem>>
        %dma_start3A_517 = arith.constant 0 : i32
        %dma_start3A_518 = arith.constant 0 : i32
        %dma_start3A_519 = tpu.memref_slice %arg3[%dma_start3A_517, %dma_start3A_518] : memref<1703936x32xf32, #tpu.memory_space<hbm>> -> memref<1703936x32xf32, #tpu.memory_space<hbm>>
        tpu.enqueue_indirect_dma source(%dma_start3A_519 : memref<1703936x32xf32, #tpu.memory_space<hbm>>) target(%dma_start3A_513 : memref<128x32xf32, #tpu.memory_space<vmem>>) offsets(%dma_start3A_516 : memref<128xi32, #tpu.memory_space<vmem>>) semaphore(%arg13 : memref<!tpu.dma_semaphore, #tpu.memory_space<semaphore_mem>>)
        %dma_start3A_520 = arith.constant 2 : i32
        %dma_start3A_521 = arith.constant 256 : i32
        %dma_start3A_522 = arith.constant 0 : i32
        %dma_start3A_523 = tpu.memref_slice %arg7[%dma_start3A_521, %dma_start3A_522] : memref<1280x32xf32, #tpu.memory_space<vmem>> -> memref<128x32xf32, #tpu.memory_space<vmem>>
        %dma_start3A_524 = arith.constant 0 : i32
        %dma_start3A_525 = tpu.memref_slice %arg5[%dma_start3A_520, %dma_start3A_524] : memref<10x128xi32, #tpu.memory_space<vmem>> -> memref<1x128xi32, #tpu.memory_space<vmem>>
        %dma_start3A_526 = tpu.memref_squeeze %dma_start3A_525 : memref<1x128xi32, #tpu.memory_space<vmem>> -> memref<128xi32, #tpu.memory_space<vmem>>
        %dma_start3A_527 = arith.constant 0 : i32
        %dma_start3A_528 = arith.constant 0 : i32
        %dma_start3A_529 = tpu.memref_slice %arg3[%dma_start3A_527, %dma_start3A_528] : memref<1703936x32xf32, #tpu.memory_space<hbm>> -> memref<1703936x32xf32, #tpu.memory_space<hbm>>
        tpu.enqueue_indirect_dma source(%dma_start3A_529 : memref<1703936x32xf32, #tpu.memory_space<hbm>>) target(%dma_start3A_523 : memref<128x32xf32, #tpu.memory_space<vmem>>) offsets(%dma_start3A_526 : memref<128xi32, #tpu.memory_space<vmem>>) semaphore(%arg13 : memref<!tpu.dma_semaphore, #tpu.memory_space<semaphore_mem>>)
        %dma_start3A_530 = arith.constant 3 : i32
        %dma_start3A_531 = arith.constant 384 : i32
        %dma_start3A_532 = arith.constant 0 : i32
        %dma_start3A_533 = tpu.memref_slice %arg7[%dma_start3A_531, %dma_start3A_532] : memref<1280x32xf32, #tpu.memory_space<vmem>> -> memref<128x32xf32, #tpu.memory_space<vmem>>
        %dma_start3A_534 = arith.constant 0 : i32
        %dma_start3A_535 = tpu.memref_slice %arg5[%dma_start3A_530, %dma_start3A_534] : memref<10x128xi32, #tpu.memory_space<vmem>> -> memref<1x128xi32, #tpu.memory_space<vmem>>
        %dma_start3A_536 = tpu.memref_squeeze %dma_start3A_535 : memref<1x128xi32, #tpu.memory_space<vmem>> -> memref<128xi32, #tpu.memory_space<vmem>>
        %dma_start3A_537 = arith.constant 0 : i32
        %dma_start3A_538 = arith.constant 0 : i32
        %dma_start3A_539 = tpu.memref_slice %arg3[%dma_start3A_537, %dma_start3A_538] : memref<1703936x32xf32, #tpu.memory_space<hbm>> -> memref<1703936x32xf32, #tpu.memory_space<hbm>>
        tpu.enqueue_indirect_dma source(%dma_start3A_539 : memref<1703936x32xf32, #tpu.memory_space<hbm>>) target(%dma_start3A_533 : memref<128x32xf32, #tpu.memory_space<vmem>>) offsets(%dma_start3A_536 : memref<128xi32, #tpu.memory_space<vmem>>) semaphore(%arg13 : memref<!tpu.dma_semaphore, #tpu.memory_space<semaphore_mem>>)
        %dma_start3A_540 = arith.constant 4 : i32
        %dma_start3A_541 = arith.constant 512 : i32
        %dma_start3A_542 = arith.constant 0 : i32
        %dma_start3A_543 = tpu.memref_slice %arg7[%dma_start3A_541, %dma_start3A_542] : memref<1280x32xf32, #tpu.memory_space<vmem>> -> memref<128x32xf32, #tpu.memory_space<vmem>>
        %dma_start3A_544 = arith.constant 0 : i32
        %dma_start3A_545 = tpu.memref_slice %arg5[%dma_start3A_540, %dma_start3A_544] : memref<10x128xi32, #tpu.memory_space<vmem>> -> memref<1x128xi32, #tpu.memory_space<vmem>>
        %dma_start3A_546 = tpu.memref_squeeze %dma_start3A_545 : memref<1x128xi32, #tpu.memory_space<vmem>> -> memref<128xi32, #tpu.memory_space<vmem>>
        %dma_start3A_547 = arith.constant 0 : i32
        %dma_start3A_548 = arith.constant 0 : i32
        %dma_start3A_549 = tpu.memref_slice %arg3[%dma_start3A_547, %dma_start3A_548] : memref<1703936x32xf32, #tpu.memory_space<hbm>> -> memref<1703936x32xf32, #tpu.memory_space<hbm>>
        tpu.enqueue_indirect_dma source(%dma_start3A_549 : memref<1703936x32xf32, #tpu.memory_space<hbm>>) target(%dma_start3A_543 : memref<128x32xf32, #tpu.memory_space<vmem>>) offsets(%dma_start3A_546 : memref<128xi32, #tpu.memory_space<vmem>>) semaphore(%arg13 : memref<!tpu.dma_semaphore, #tpu.memory_space<semaphore_mem>>)
        %dma_start3A_550 = arith.constant 5 : i32
        %dma_start3A_551 = arith.constant 640 : i32
        %dma_start3A_552 = arith.constant 0 : i32
        %dma_start3A_553 = tpu.memref_slice %arg7[%dma_start3A_551, %dma_start3A_552] : memref<1280x32xf32, #tpu.memory_space<vmem>> -> memref<128x32xf32, #tpu.memory_space<vmem>>
        %dma_start3A_554 = arith.constant 0 : i32
        %dma_start3A_555 = tpu.memref_slice %arg5[%dma_start3A_550, %dma_start3A_554] : memref<10x128xi32, #tpu.memory_space<vmem>> -> memref<1x128xi32, #tpu.memory_space<vmem>>
        %dma_start3A_556 = tpu.memref_squeeze %dma_start3A_555 : memref<1x128xi32, #tpu.memory_space<vmem>> -> memref<128xi32, #tpu.memory_space<vmem>>
        %dma_start3A_557 = arith.constant 0 : i32
        %dma_start3A_558 = arith.constant 0 : i32
        %dma_start3A_559 = tpu.memref_slice %arg3[%dma_start3A_557, %dma_start3A_558] : memref<1703936x32xf32, #tpu.memory_space<hbm>> -> memref<1703936x32xf32, #tpu.memory_space<hbm>>
        tpu.enqueue_indirect_dma source(%dma_start3A_559 : memref<1703936x32xf32, #tpu.memory_space<hbm>>) target(%dma_start3A_553 : memref<128x32xf32, #tpu.memory_space<vmem>>) offsets(%dma_start3A_556 : memref<128xi32, #tpu.memory_space<vmem>>) semaphore(%arg13 : memref<!tpu.dma_semaphore, #tpu.memory_space<semaphore_mem>>)
        %dma_start3A_560 = arith.constant 6 : i32
        %dma_start3A_561 = arith.constant 768 : i32
        %dma_start3A_562 = arith.constant 0 : i32
        %dma_start3A_563 = tpu.memref_slice %arg7[%dma_start3A_561, %dma_start3A_562] : memref<1280x32xf32, #tpu.memory_space<vmem>> -> memref<128x32xf32, #tpu.memory_space<vmem>>
        %dma_start3A_564 = arith.constant 0 : i32
        %dma_start3A_565 = tpu.memref_slice %arg5[%dma_start3A_560, %dma_start3A_564] : memref<10x128xi32, #tpu.memory_space<vmem>> -> memref<1x128xi32, #tpu.memory_space<vmem>>
        %dma_start3A_566 = tpu.memref_squeeze %dma_start3A_565 : memref<1x128xi32, #tpu.memory_space<vmem>> -> memref<128xi32, #tpu.memory_space<vmem>>
        %dma_start3A_567 = arith.constant 0 : i32
        %dma_start3A_568 = arith.constant 0 : i32
        %dma_start3A_569 = tpu.memref_slice %arg3[%dma_start3A_567, %dma_start3A_568] : memref<1703936x32xf32, #tpu.memory_space<hbm>> -> memref<1703936x32xf32, #tpu.memory_space<hbm>>
        tpu.enqueue_indirect_dma source(%dma_start3A_569 : memref<1703936x32xf32, #tpu.memory_space<hbm>>) target(%dma_start3A_563 : memref<128x32xf32, #tpu.memory_space<vmem>>) offsets(%dma_start3A_566 : memref<128xi32, #tpu.memory_space<vmem>>) semaphore(%arg13 : memref<!tpu.dma_semaphore, #tpu.memory_space<semaphore_mem>>)
        %dma_start3A_570 = arith.constant 7 : i32
        %dma_start3A_571 = arith.constant 896 : i32
        %dma_start3A_572 = arith.constant 0 : i32
        %dma_start3A_573 = tpu.memref_slice %arg7[%dma_start3A_571, %dma_start3A_572] : memref<1280x32xf32, #tpu.memory_space<vmem>> -> memref<128x32xf32, #tpu.memory_space<vmem>>
        %dma_start3A_574 = arith.constant 0 : i32
        %dma_start3A_575 = tpu.memref_slice %arg5[%dma_start3A_570, %dma_start3A_574] : memref<10x128xi32, #tpu.memory_space<vmem>> -> memref<1x128xi32, #tpu.memory_space<vmem>>
        %dma_start3A_576 = tpu.memref_squeeze %dma_start3A_575 : memref<1x128xi32, #tpu.memory_space<vmem>> -> memref<128xi32, #tpu.memory_space<vmem>>
        %dma_start3A_577 = arith.constant 0 : i32
        %dma_start3A_578 = arith.constant 0 : i32
        %dma_start3A_579 = tpu.memref_slice %arg3[%dma_start3A_577, %dma_start3A_578] : memref<1703936x32xf32, #tpu.memory_space<hbm>> -> memref<1703936x32xf32, #tpu.memory_space<hbm>>
        tpu.enqueue_indirect_dma source(%dma_start3A_579 : memref<1703936x32xf32, #tpu.memory_space<hbm>>) target(%dma_start3A_573 : memref<128x32xf32, #tpu.memory_space<vmem>>) offsets(%dma_start3A_576 : memref<128xi32, #tpu.memory_space<vmem>>) semaphore(%arg13 : memref<!tpu.dma_semaphore, #tpu.memory_space<semaphore_mem>>)
        %dma_start3A_580 = arith.constant 8 : i32
        %dma_start3A_581 = arith.constant 1024 : i32
        %dma_start3A_582 = arith.constant 0 : i32
        %dma_start3A_583 = tpu.memref_slice %arg7[%dma_start3A_581, %dma_start3A_582] : memref<1280x32xf32, #tpu.memory_space<vmem>> -> memref<128x32xf32, #tpu.memory_space<vmem>>
        %dma_start3A_584 = arith.constant 0 : i32
        %dma_start3A_585 = tpu.memref_slice %arg5[%dma_start3A_580, %dma_start3A_584] : memref<10x128xi32, #tpu.memory_space<vmem>> -> memref<1x128xi32, #tpu.memory_space<vmem>>
        %dma_start3A_586 = tpu.memref_squeeze %dma_start3A_585 : memref<1x128xi32, #tpu.memory_space<vmem>> -> memref<128xi32, #tpu.memory_space<vmem>>
        %dma_start3A_587 = arith.constant 0 : i32
        %dma_start3A_588 = arith.constant 0 : i32
        %dma_start3A_589 = tpu.memref_slice %arg3[%dma_start3A_587, %dma_start3A_588] : memref<1703936x32xf32, #tpu.memory_space<hbm>> -> memref<1703936x32xf32, #tpu.memory_space<hbm>>
        tpu.enqueue_indirect_dma source(%dma_start3A_589 : memref<1703936x32xf32, #tpu.memory_space<hbm>>) target(%dma_start3A_583 : memref<128x32xf32, #tpu.memory_space<vmem>>) offsets(%dma_start3A_586 : memref<128xi32, #tpu.memory_space<vmem>>) semaphore(%arg13 : memref<!tpu.dma_semaphore, #tpu.memory_space<semaphore_mem>>)
        %dma_start3A_590 = arith.constant 9 : i32
        %dma_start3A_591 = arith.constant 1152 : i32
        %dma_start3A_592 = arith.constant 0 : i32
        %dma_start3A_593 = tpu.memref_slice %arg7[%dma_start3A_591, %dma_start3A_592] : memref<1280x32xf32, #tpu.memory_space<vmem>> -> memref<128x32xf32, #tpu.memory_space<vmem>>
        %dma_start3A_594 = arith.constant 0 : i32
        %dma_start3A_595 = tpu.memref_slice %arg5[%dma_start3A_590, %dma_start3A_594] : memref<10x128xi32, #tpu.memory_space<vmem>> -> memref<1x128xi32, #tpu.memory_space<vmem>>
        %dma_start3A_596 = tpu.memref_squeeze %dma_start3A_595 : memref<1x128xi32, #tpu.memory_space<vmem>> -> memref<128xi32, #tpu.memory_space<vmem>>
        %dma_start3A_597 = arith.constant 0 : i32
        %dma_start3A_598 = arith.constant 0 : i32
        %dma_start3A_599 = tpu.memref_slice %arg3[%dma_start3A_597, %dma_start3A_598] : memref<1703936x32xf32, #tpu.memory_space<hbm>> -> memref<1703936x32xf32, #tpu.memory_space<hbm>>
        tpu.enqueue_indirect_dma source(%dma_start3A_599 : memref<1703936x32xf32, #tpu.memory_space<hbm>>) target(%dma_start3A_593 : memref<128x32xf32, #tpu.memory_space<vmem>>) offsets(%dma_start3A_596 : memref<128xi32, #tpu.memory_space<vmem>>) semaphore(%arg13 : memref<!tpu.dma_semaphore, #tpu.memory_space<semaphore_mem>>)
      } else {
      }
      %ge3A_430 = arith.constant 2 : i32
      %ge3A_431 = arith.cmpi sge, %add3A_315, %ge3A_430 : i32
      %convert_element_type3A_432 = arith.extui %ge3A_431 : i1 to i32
      %cond3A_433 = arith.constant 0 : i32
      %cond3A_434 = arith.cmpi ne, %convert_element_type3A_432, %cond3A_433 : i32
      scf.if %cond3A_434 {
        %sub3A_491 = arith.constant 2 : i32
        %sub3A_492 = arith.subi %add3A_315, %sub3A_491 : i32
        %mul3A_493 = arith.constant 128 : i32
        %mul3A_494 = arith.muli %add3A, %mul3A_493 : i32
        %jit3A_495 = arith.constant 2 : i32
        %eq3A_496 = arith.constant 0 : i32
        %eq3A_497 = arith.cmpi eq, %jit3A_495, %eq3A_496 : i32
        %jit3A_498 = arith.constant 1 : i32
        %select_n3A_499 = arith.select %eq3A_497, %jit3A_498, %jit3A_495 : i32
        %rem3A_500 = arith.remsi %sub3A_492, %select_n3A_499 : i32
        %ne3A_501 = arith.constant 0 : i32
        %ne3A_502 = arith.cmpi ne, %rem3A_500, %ne3A_501 : i32
        %lt3A_503 = arith.constant 0 : i32
        %lt3A_504 = arith.cmpi slt, %rem3A_500, %lt3A_503 : i32
        %lt3A_505 = arith.constant 0 : i32
        %lt3A_506 = arith.cmpi slt, %select_n3A_499, %lt3A_505 : i32
        %ne3A_507 = arith.xori %lt3A_504, %lt3A_506 : i1
        %and3A_508 = arith.andi %ne3A_507, %ne3A_502 : i1
        %add3A_509 = arith.addi %rem3A_500, %select_n3A_499 : i32
        %select_n3A_510 = arith.select %and3A_508, %add3A_509, %rem3A_500 : i32
        %mul3A_511 = arith.constant 64 : i32
        %mul3A_512 = arith.muli %select_n3A_510, %mul3A_511 : i32
        %add3A_513 = arith.addi %mul3A_494, %mul3A_512 : i32
        %jit3A_514 = arith.constant 2 : i32
        %div3A_515 = arith.divsi %sub3A_492, %jit3A_514 : i32
        %sign3A_516 = arith.constant 0 : i32
        %sign3A_517 = arith.cmpi sgt, %sub3A_492, %sign3A_516 : i32
        %sign3A_518 = arith.extui %sign3A_517 : i1 to i32
        %sign3A_519 = arith.constant 0 : i32
        %sign3A_520 = arith.cmpi slt, %sub3A_492, %sign3A_519 : i32
        %sign3A_521 = arith.extui %sign3A_520 : i1 to i32
        %sign3A_522 = arith.subi %sign3A_518, %sign3A_521 : i32
        %sign3A_523 = arith.constant 0 : i32
        %sign3A_524 = arith.cmpi sgt, %jit3A_514, %sign3A_523 : i32
        %sign3A_525 = arith.extui %sign3A_524 : i1 to i32
        %sign3A_526 = arith.constant 0 : i32
        %sign3A_527 = arith.cmpi slt, %jit3A_514, %sign3A_526 : i32
        %sign3A_528 = arith.extui %sign3A_527 : i1 to i32
        %sign3A_529 = arith.subi %sign3A_525, %sign3A_528 : i32
        %ne3A_530 = arith.cmpi ne, %sign3A_522, %sign3A_529 : i32
        %rem3A_531 = arith.remsi %sub3A_492, %jit3A_514 : i32
        %ne3A_532 = arith.constant 0 : i32
        %ne3A_533 = arith.cmpi ne, %rem3A_531, %ne3A_532 : i32
        %and3A_534 = arith.andi %ne3A_530, %ne3A_533 : i1
        %sub3A_535 = arith.constant 1 : i32
        %sub3A_536 = arith.subi %div3A_515, %sub3A_535 : i32
        %select_n3A_537 = arith.select %and3A_534, %sub3A_536, %div3A_515 : i32
        %dma_wait3A_538 = arith.constant 0 : i32
        %dma_wait3A_539 = tpu.memref_slice %arg4[%add3A_513, %select_n3A_537, %dma_wait3A_538] : memref<4096x13x32xf32, #tpu.memory_space<hbm>> -> memref<64x1x32xf32, #tpu.memory_space<hbm>>
        %dma_wait3A_540 = tpu.memref_squeeze %dma_wait3A_539 : memref<64x1x32xf32, #tpu.memory_space<hbm>> -> memref<64x32xf32, #tpu.memory_space<hbm>>
        %dma_wait3A_541 = arith.constant 0 : i32
        %dma_wait3A_542 = tpu.memref_slice %arg4[%add3A_513, %select_n3A_537, %dma_wait3A_541] : memref<4096x13x32xf32, #tpu.memory_space<hbm>> -> memref<64x1x32xf32, #tpu.memory_space<hbm>>
        %dma_wait3A_543 = tpu.memref_squeeze %dma_wait3A_542 : memref<64x1x32xf32, #tpu.memory_space<hbm>> -> memref<64x32xf32, #tpu.memory_space<hbm>>
        tpu.wait_dma2 semaphore(%arg16 : memref<!tpu.dma_semaphore, #tpu.memory_space<semaphore_mem>>) src(%arg10 : memref<64x32xf32, #tpu.memory_space<vmem>>) dst(%dma_wait3A_543 : memref<64x32xf32, #tpu.memory_space<hbm>>)
      } else {
      }
      %scan3A_435 = arith.constant 0 : i32
      %scan3A_436 = arith.constant 64 : i32
      %scan3A_437 = arith.addi %scan3A_435, %scan3A_436 : i32
      %scan3A_438 = arith.constant 1 : i32
      scf.for %scan3A_491 = %scan3A_435 to %scan3A_437 step %scan3A_438  : i32 {
        %mul3A_492 = arith.constant 1 : i32
        %mul3A_493 = arith.muli %scan3A_491, %mul3A_492 : i32
        %add3A_494 = arith.constant 0 : i32
        %add3A_495 = arith.addi %add3A_494, %mul3A_493 : i32
        %mul3A_496 = arith.constant 20 : i32
        %mul3A_497 = arith.muli %add3A_495, %mul3A_496 : i32
        %get3A = arith.index_cast %mul3A_497 : i32 to index
        %get3A_498 = arith.constant 0 : index
        %get3A_499 = tpu.vector_load %arg8[%get3A, %get3A_498] {strides = array<i32>} : memref<1280x32xf32, #tpu.memory_space<vmem>>, vector<1x16xf32>,
        %get3A_500 = vector.shape_cast %get3A_499 : vector<1x16xf32> to vector<16xf32>
        %get3A_501 = arith.index_cast %mul3A_497 : i32 to index
        %get3A_502 = arith.constant 16 : index
        %get3A_503 = tpu.vector_load %arg8[%get3A_501, %get3A_502] {strides = array<i32>} : memref<1280x32xf32, #tpu.memory_space<vmem>>, vector<1x16xf32>,
        %get3A_504 = vector.shape_cast %get3A_503 : vector<1x16xf32> to vector<16xf32>
        %add3A_505 = arith.constant 1 : i32
        %add3A_506 = arith.addi %mul3A_497, %add3A_505 : i32
        %get3A_507 = arith.index_cast %add3A_506 : i32 to index
        %get3A_508 = arith.constant 0 : index
        %get3A_509 = tpu.vector_load %arg8[%get3A_507, %get3A_508] {strides = array<i32>} : memref<1280x32xf32, #tpu.memory_space<vmem>>, vector<1x16xf32>,
        %get3A_510 = vector.shape_cast %get3A_509 : vector<1x16xf32> to vector<16xf32>
        %add3A_511 = arith.addf %get3A_500, %get3A_510 : vector<16xf32>
        %add3A_512 = arith.constant 1 : i32
        %add3A_513 = arith.addi %mul3A_497, %add3A_512 : i32
        %get3A_514 = arith.index_cast %add3A_513 : i32 to index
        %get3A_515 = arith.constant 16 : index
        %get3A_516 = tpu.vector_load %arg8[%get3A_514, %get3A_515] {strides = array<i32>} : memref<1280x32xf32, #tpu.memory_space<vmem>>, vector<1x16xf32>,
        %get3A_517 = vector.shape_cast %get3A_516 : vector<1x16xf32> to vector<16xf32>
        %add3A_518 = arith.addf %get3A_504, %get3A_517 : vector<16xf32>
        %add3A_519 = arith.constant 2 : i32
        %add3A_520 = arith.addi %mul3A_497, %add3A_519 : i32
        %get3A_521 = arith.index_cast %add3A_520 : i32 to index
        %get3A_522 = arith.constant 0 : index
        %get3A_523 = tpu.vector_load %arg8[%get3A_521, %get3A_522] {strides = array<i32>} : memref<1280x32xf32, #tpu.memory_space<vmem>>, vector<1x16xf32>,
        %get3A_524 = vector.shape_cast %get3A_523 : vector<1x16xf32> to vector<16xf32>
        %add3A_525 = arith.addf %add3A_511, %get3A_524 : vector<16xf32>
        %add3A_526 = arith.constant 2 : i32
        %add3A_527 = arith.addi %mul3A_497, %add3A_526 : i32
        %get3A_528 = arith.index_cast %add3A_527 : i32 to index
        %get3A_529 = arith.constant 16 : index
        %get3A_530 = tpu.vector_load %arg8[%get3A_528, %get3A_529] {strides = array<i32>} : memref<1280x32xf32, #tpu.memory_space<vmem>>, vector<1x16xf32>,
        %get3A_531 = vector.shape_cast %get3A_530 : vector<1x16xf32> to vector<16xf32>
        %add3A_532 = arith.addf %add3A_518, %get3A_531 : vector<16xf32>
        %add3A_533 = arith.constant 3 : i32
        %add3A_534 = arith.addi %mul3A_497, %add3A_533 : i32
        %get3A_535 = arith.index_cast %add3A_534 : i32 to index
        %get3A_536 = arith.constant 0 : index
        %get3A_537 = tpu.vector_load %arg8[%get3A_535, %get3A_536] {strides = array<i32>} : memref<1280x32xf32, #tpu.memory_space<vmem>>, vector<1x16xf32>,
        %get3A_538 = vector.shape_cast %get3A_537 : vector<1x16xf32> to vector<16xf32>
        %add3A_539 = arith.addf %add3A_525, %get3A_538 : vector<16xf32>
        %add3A_540 = arith.constant 3 : i32
        %add3A_541 = arith.addi %mul3A_497, %add3A_540 : i32
        %get3A_542 = arith.index_cast %add3A_541 : i32 to index
        %get3A_543 = arith.constant 16 : index
        %get3A_544 = tpu.vector_load %arg8[%get3A_542, %get3A_543] {strides = array<i32>} : memref<1280x32xf32, #tpu.memory_space<vmem>>, vector<1x16xf32>,
        %get3A_545 = vector.shape_cast %get3A_544 : vector<1x16xf32> to vector<16xf32>
        %add3A_546 = arith.addf %add3A_532, %get3A_545 : vector<16xf32>
        %add3A_547 = arith.constant 4 : i32
        %add3A_548 = arith.addi %mul3A_497, %add3A_547 : i32
        %get3A_549 = arith.index_cast %add3A_548 : i32 to index
        %get3A_550 = arith.constant 0 : index
        %get3A_551 = tpu.vector_load %arg8[%get3A_549, %get3A_550] {strides = array<i32>} : memref<1280x32xf32, #tpu.memory_space<vmem>>, vector<1x16xf32>,
        %get3A_552 = vector.shape_cast %get3A_551 : vector<1x16xf32> to vector<16xf32>
        %add3A_553 = arith.addf %add3A_539, %get3A_552 : vector<16xf32>
        %add3A_554 = arith.constant 4 : i32
        %add3A_555 = arith.addi %mul3A_497, %add3A_554 : i32
        %get3A_556 = arith.index_cast %add3A_555 : i32 to index
        %get3A_557 = arith.constant 16 : index
        %get3A_558 = tpu.vector_load %arg8[%get3A_556, %get3A_557] {strides = array<i32>} : memref<1280x32xf32, #tpu.memory_space<vmem>>, vector<1x16xf32>,
        %get3A_559 = vector.shape_cast %get3A_558 : vector<1x16xf32> to vector<16xf32>
        %add3A_560 = arith.addf %add3A_546, %get3A_559 : vector<16xf32>
        %add3A_561 = arith.constant 5 : i32
        %add3A_562 = arith.addi %mul3A_497, %add3A_561 : i32
        %get3A_563 = arith.index_cast %add3A_562 : i32 to index
        %get3A_564 = arith.constant 0 : index
        %get3A_565 = tpu.vector_load %arg8[%get3A_563, %get3A_564] {strides = array<i32>} : memref<1280x32xf32, #tpu.memory_space<vmem>>, vector<1x16xf32>,
        %get3A_566 = vector.shape_cast %get3A_565 : vector<1x16xf32> to vector<16xf32>
        %add3A_567 = arith.addf %add3A_553, %get3A_566 : vector<16xf32>
        %add3A_568 = arith.constant 5 : i32
        %add3A_569 = arith.addi %mul3A_497, %add3A_568 : i32
        %get3A_570 = arith.index_cast %add3A_569 : i32 to index
        %get3A_571 = arith.constant 16 : index
        %get3A_572 = tpu.vector_load %arg8[%get3A_570, %get3A_571] {strides = array<i32>} : memref<1280x32xf32, #tpu.memory_space<vmem>>, vector<1x16xf32>,
        %get3A_573 = vector.shape_cast %get3A_572 : vector<1x16xf32> to vector<16xf32>
        %add3A_574 = arith.addf %add3A_560, %get3A_573 : vector<16xf32>
        %add3A_575 = arith.constant 6 : i32
        %add3A_576 = arith.addi %mul3A_497, %add3A_575 : i32
        %get3A_577 = arith.index_cast %add3A_576 : i32 to index
        %get3A_578 = arith.constant 0 : index
        %get3A_579 = tpu.vector_load %arg8[%get3A_577, %get3A_578] {strides = array<i32>} : memref<1280x32xf32, #tpu.memory_space<vmem>>, vector<1x16xf32>,
        %get3A_580 = vector.shape_cast %get3A_579 : vector<1x16xf32> to vector<16xf32>
        %add3A_581 = arith.addf %add3A_567, %get3A_580 : vector<16xf32>
        %add3A_582 = arith.constant 6 : i32
        %add3A_583 = arith.addi %mul3A_497, %add3A_582 : i32
        %get3A_584 = arith.index_cast %add3A_583 : i32 to index
        %get3A_585 = arith.constant 16 : index
        %get3A_586 = tpu.vector_load %arg8[%get3A_584, %get3A_585] {strides = array<i32>} : memref<1280x32xf32, #tpu.memory_space<vmem>>, vector<1x16xf32>,
        %get3A_587 = vector.shape_cast %get3A_586 : vector<1x16xf32> to vector<16xf32>
        %add3A_588 = arith.addf %add3A_574, %get3A_587 : vector<16xf32>
        %add3A_589 = arith.constant 7 : i32
        %add3A_590 = arith.addi %mul3A_497, %add3A_589 : i32
        %get3A_591 = arith.index_cast %add3A_590 : i32 to index
        %get3A_592 = arith.constant 0 : index
        %get3A_593 = tpu.vector_load %arg8[%get3A_591, %get3A_592] {strides = array<i32>} : memref<1280x32xf32, #tpu.memory_space<vmem>>, vector<1x16xf32>,
        %get3A_594 = vector.shape_cast %get3A_593 : vector<1x16xf32> to vector<16xf32>
        %add3A_595 = arith.addf %add3A_581, %get3A_594 : vector<16xf32>
        %add3A_596 = arith.constant 7 : i32
        %add3A_597 = arith.addi %mul3A_497, %add3A_596 : i32
        %get3A_598 = arith.index_cast %add3A_597 : i32 to index
        %get3A_599 = arith.constant 16 : index
        %get3A_600 = tpu.vector_load %arg8[%get3A_598, %get3A_599] {strides = array<i32>} : memref<1280x32xf32, #tpu.memory_space<vmem>>, vector<1x16xf32>,
        %get3A_601 = vector.shape_cast %get3A_600 : vector<1x16xf32> to vector<16xf32>
        %add3A_602 = arith.addf %add3A_588, %get3A_601 : vector<16xf32>
        %add3A_603 = arith.constant 8 : i32
        %add3A_604 = arith.addi %mul3A_497, %add3A_603 : i32
        %get3A_605 = arith.index_cast %add3A_604 : i32 to index
        %get3A_606 = arith.constant 0 : index
        %get3A_607 = tpu.vector_load %arg8[%get3A_605, %get3A_606] {strides = array<i32>} : memref<1280x32xf32, #tpu.memory_space<vmem>>, vector<1x16xf32>,
        %get3A_608 = vector.shape_cast %get3A_607 : vector<1x16xf32> to vector<16xf32>
        %add3A_609 = arith.addf %add3A_595, %get3A_608 : vector<16xf32>
        %add3A_610 = arith.constant 8 : i32
        %add3A_611 = arith.addi %mul3A_497, %add3A_610 : i32
        %get3A_612 = arith.index_cast %add3A_611 : i32 to index
        %get3A_613 = arith.constant 16 : index
        %get3A_614 = tpu.vector_load %arg8[%get3A_612, %get3A_613] {strides = array<i32>} : memref<1280x32xf32, #tpu.memory_space<vmem>>, vector<1x16xf32>,
        %get3A_615 = vector.shape_cast %get3A_614 : vector<1x16xf32> to vector<16xf32>
        %add3A_616 = arith.addf %add3A_602, %get3A_615 : vector<16xf32>
        %add3A_617 = arith.constant 9 : i32
        %add3A_618 = arith.addi %mul3A_497, %add3A_617 : i32
        %get3A_619 = arith.index_cast %add3A_618 : i32 to index
        %get3A_620 = arith.constant 0 : index
        %get3A_621 = tpu.vector_load %arg8[%get3A_619, %get3A_620] {strides = array<i32>} : memref<1280x32xf32, #tpu.memory_space<vmem>>, vector<1x16xf32>,
        %get3A_622 = vector.shape_cast %get3A_621 : vector<1x16xf32> to vector<16xf32>
        %add3A_623 = arith.addf %add3A_609, %get3A_622 : vector<16xf32>
        %add3A_624 = arith.constant 9 : i32
        %add3A_625 = arith.addi %mul3A_497, %add3A_624 : i32
        %get3A_626 = arith.index_cast %add3A_625 : i32 to index
        %get3A_627 = arith.constant 16 : index
        %get3A_628 = tpu.vector_load %arg8[%get3A_626, %get3A_627] {strides = array<i32>} : memref<1280x32xf32, #tpu.memory_space<vmem>>, vector<1x16xf32>,
        %get3A_629 = vector.shape_cast %get3A_628 : vector<1x16xf32> to vector<16xf32>
        %add3A_630 = arith.addf %add3A_616, %get3A_629 : vector<16xf32>
        %add3A_631 = arith.constant 10 : i32
        %add3A_632 = arith.addi %mul3A_497, %add3A_631 : i32
        %get3A_633 = arith.index_cast %add3A_632 : i32 to index
        %get3A_634 = arith.constant 0 : index
        %get3A_635 = tpu.vector_load %arg8[%get3A_633, %get3A_634] {strides = array<i32>} : memref<1280x32xf32, #tpu.memory_space<vmem>>, vector<1x16xf32>,
        %get3A_636 = vector.shape_cast %get3A_635 : vector<1x16xf32> to vector<16xf32>
        %add3A_637 = arith.addf %add3A_623, %get3A_636 : vector<16xf32>
        %add3A_638 = arith.constant 10 : i32
        %add3A_639 = arith.addi %mul3A_497, %add3A_638 : i32
        %get3A_640 = arith.index_cast %add3A_639 : i32 to index
        %get3A_641 = arith.constant 16 : index
        %get3A_642 = tpu.vector_load %arg8[%get3A_640, %get3A_641] {strides = array<i32>} : memref<1280x32xf32, #tpu.memory_space<vmem>>, vector<1x16xf32>,
        %get3A_643 = vector.shape_cast %get3A_642 : vector<1x16xf32> to vector<16xf32>
        %add3A_644 = arith.addf %add3A_630, %get3A_643 : vector<16xf32>
        %add3A_645 = arith.constant 11 : i32
        %add3A_646 = arith.addi %mul3A_497, %add3A_645 : i32
        %get3A_647 = arith.index_cast %add3A_646 : i32 to index
        %get3A_648 = arith.constant 0 : index
        %get3A_649 = tpu.vector_load %arg8[%get3A_647, %get3A_648] {strides = array<i32>} : memref<1280x32xf32, #tpu.memory_space<vmem>>, vector<1x16xf32>,
        %get3A_650 = vector.shape_cast %get3A_649 : vector<1x16xf32> to vector<16xf32>
        %add3A_651 = arith.addf %add3A_637, %get3A_650 : vector<16xf32>
        %add3A_652 = arith.constant 11 : i32
        %add3A_653 = arith.addi %mul3A_497, %add3A_652 : i32
        %get3A_654 = arith.index_cast %add3A_653 : i32 to index
        %get3A_655 = arith.constant 16 : index
        %get3A_656 = tpu.vector_load %arg8[%get3A_654, %get3A_655] {strides = array<i32>} : memref<1280x32xf32, #tpu.memory_space<vmem>>, vector<1x16xf32>,
        %get3A_657 = vector.shape_cast %get3A_656 : vector<1x16xf32> to vector<16xf32>
        %add3A_658 = arith.addf %add3A_644, %get3A_657 : vector<16xf32>
        %add3A_659 = arith.constant 12 : i32
        %add3A_660 = arith.addi %mul3A_497, %add3A_659 : i32
        %get3A_661 = arith.index_cast %add3A_660 : i32 to index
        %get3A_662 = arith.constant 0 : index
        %get3A_663 = tpu.vector_load %arg8[%get3A_661, %get3A_662] {strides = array<i32>} : memref<1280x32xf32, #tpu.memory_space<vmem>>, vector<1x16xf32>,
        %get3A_664 = vector.shape_cast %get3A_663 : vector<1x16xf32> to vector<16xf32>
        %add3A_665 = arith.addf %add3A_651, %get3A_664 : vector<16xf32>
        %add3A_666 = arith.constant 12 : i32
        %add3A_667 = arith.addi %mul3A_497, %add3A_666 : i32
        %get3A_668 = arith.index_cast %add3A_667 : i32 to index
        %get3A_669 = arith.constant 16 : index
        %get3A_670 = tpu.vector_load %arg8[%get3A_668, %get3A_669] {strides = array<i32>} : memref<1280x32xf32, #tpu.memory_space<vmem>>, vector<1x16xf32>,
        %get3A_671 = vector.shape_cast %get3A_670 : vector<1x16xf32> to vector<16xf32>
        %add3A_672 = arith.addf %add3A_658, %get3A_671 : vector<16xf32>
        %add3A_673 = arith.constant 13 : i32
        %add3A_674 = arith.addi %mul3A_497, %add3A_673 : i32
        %get3A_675 = arith.index_cast %add3A_674 : i32 to index
        %get3A_676 = arith.constant 0 : index
        %get3A_677 = tpu.vector_load %arg8[%get3A_675, %get3A_676] {strides = array<i32>} : memref<1280x32xf32, #tpu.memory_space<vmem>>, vector<1x16xf32>,
        %get3A_678 = vector.shape_cast %get3A_677 : vector<1x16xf32> to vector<16xf32>
        %add3A_679 = arith.addf %add3A_665, %get3A_678 : vector<16xf32>
        %add3A_680 = arith.constant 13 : i32
        %add3A_681 = arith.addi %mul3A_497, %add3A_680 : i32
        %get3A_682 = arith.index_cast %add3A_681 : i32 to index
        %get3A_683 = arith.constant 16 : index
        %get3A_684 = tpu.vector_load %arg8[%get3A_682, %get3A_683] {strides = array<i32>} : memref<1280x32xf32, #tpu.memory_space<vmem>>, vector<1x16xf32>,
        %get3A_685 = vector.shape_cast %get3A_684 : vector<1x16xf32> to vector<16xf32>
        %add3A_686 = arith.addf %add3A_672, %get3A_685 : vector<16xf32>
        %add3A_687 = arith.constant 14 : i32
        %add3A_688 = arith.addi %mul3A_497, %add3A_687 : i32
        %get3A_689 = arith.index_cast %add3A_688 : i32 to index
        %get3A_690 = arith.constant 0 : index
        %get3A_691 = tpu.vector_load %arg8[%get3A_689, %get3A_690] {strides = array<i32>} : memref<1280x32xf32, #tpu.memory_space<vmem>>, vector<1x16xf32>,
        %get3A_692 = vector.shape_cast %get3A_691 : vector<1x16xf32> to vector<16xf32>
        %add3A_693 = arith.addf %add3A_679, %get3A_692 : vector<16xf32>
        %add3A_694 = arith.constant 14 : i32
        %add3A_695 = arith.addi %mul3A_497, %add3A_694 : i32
        %get3A_696 = arith.index_cast %add3A_695 : i32 to index
        %get3A_697 = arith.constant 16 : index
        %get3A_698 = tpu.vector_load %arg8[%get3A_696, %get3A_697] {strides = array<i32>} : memref<1280x32xf32, #tpu.memory_space<vmem>>, vector<1x16xf32>,
        %get3A_699 = vector.shape_cast %get3A_698 : vector<1x16xf32> to vector<16xf32>
        %add3A_700 = arith.addf %add3A_686, %get3A_699 : vector<16xf32>
        %add3A_701 = arith.constant 15 : i32
        %add3A_702 = arith.addi %mul3A_497, %add3A_701 : i32
        %get3A_703 = arith.index_cast %add3A_702 : i32 to index
        %get3A_704 = arith.constant 0 : index
        %get3A_705 = tpu.vector_load %arg8[%get3A_703, %get3A_704] {strides = array<i32>} : memref<1280x32xf32, #tpu.memory_space<vmem>>, vector<1x16xf32>,
        %get3A_706 = vector.shape_cast %get3A_705 : vector<1x16xf32> to vector<16xf32>
        %add3A_707 = arith.addf %add3A_693, %get3A_706 : vector<16xf32>
        %add3A_708 = arith.constant 15 : i32
        %add3A_709 = arith.addi %mul3A_497, %add3A_708 : i32
        %get3A_710 = arith.index_cast %add3A_709 : i32 to index
        %get3A_711 = arith.constant 16 : index
        %get3A_712 = tpu.vector_load %arg8[%get3A_710, %get3A_711] {strides = array<i32>} : memref<1280x32xf32, #tpu.memory_space<vmem>>, vector<1x16xf32>,
        %get3A_713 = vector.shape_cast %get3A_712 : vector<1x16xf32> to vector<16xf32>
        %add3A_714 = arith.addf %add3A_700, %get3A_713 : vector<16xf32>
        %add3A_715 = arith.constant 16 : i32
        %add3A_716 = arith.addi %mul3A_497, %add3A_715 : i32
        %get3A_717 = arith.index_cast %add3A_716 : i32 to index
        %get3A_718 = arith.constant 0 : index
        %get3A_719 = tpu.vector_load %arg8[%get3A_717, %get3A_718] {strides = array<i32>} : memref<1280x32xf32, #tpu.memory_space<vmem>>, vector<1x16xf32>,
        %get3A_720 = vector.shape_cast %get3A_719 : vector<1x16xf32> to vector<16xf32>
        %add3A_721 = arith.addf %add3A_707, %get3A_720 : vector<16xf32>
        %add3A_722 = arith.constant 16 : i32
        %add3A_723 = arith.addi %mul3A_497, %add3A_722 : i32
        %get3A_724 = arith.index_cast %add3A_723 : i32 to index
        %get3A_725 = arith.constant 16 : index
        %get3A_726 = tpu.vector_load %arg8[%get3A_724, %get3A_725] {strides = array<i32>} : memref<1280x32xf32, #tpu.memory_space<vmem>>, vector<1x16xf32>,
        %get3A_727 = vector.shape_cast %get3A_726 : vector<1x16xf32> to vector<16xf32>
        %add3A_728 = arith.addf %add3A_714, %get3A_727 : vector<16xf32>
        %add3A_729 = arith.constant 17 : i32
        %add3A_730 = arith.addi %mul3A_497, %add3A_729 : i32
        %get3A_731 = arith.index_cast %add3A_730 : i32 to index
        %get3A_732 = arith.constant 0 : index
        %get3A_733 = tpu.vector_load %arg8[%get3A_731, %get3A_732] {strides = array<i32>} : memref<1280x32xf32, #tpu.memory_space<vmem>>, vector<1x16xf32>,
        %get3A_734 = vector.shape_cast %get3A_733 : vector<1x16xf32> to vector<16xf32>
        %add3A_735 = arith.addf %add3A_721, %get3A_734 : vector<16xf32>
        %add3A_736 = arith.constant 17 : i32
        %add3A_737 = arith.addi %mul3A_497, %add3A_736 : i32
        %get3A_738 = arith.index_cast %add3A_737 : i32 to index
        %get3A_739 = arith.constant 16 : index
        %get3A_740 = tpu.vector_load %arg8[%get3A_738, %get3A_739] {strides = array<i32>} : memref<1280x32xf32, #tpu.memory_space<vmem>>, vector<1x16xf32>,
        %get3A_741 = vector.shape_cast %get3A_740 : vector<1x16xf32> to vector<16xf32>
        %add3A_742 = arith.addf %add3A_728, %get3A_741 : vector<16xf32>
        %add3A_743 = arith.constant 18 : i32
        %add3A_744 = arith.addi %mul3A_497, %add3A_743 : i32
        %get3A_745 = arith.index_cast %add3A_744 : i32 to index
        %get3A_746 = arith.constant 0 : index
        %get3A_747 = tpu.vector_load %arg8[%get3A_745, %get3A_746] {strides = array<i32>} : memref<1280x32xf32, #tpu.memory_space<vmem>>, vector<1x16xf32>,
        %get3A_748 = vector.shape_cast %get3A_747 : vector<1x16xf32> to vector<16xf32>
        %add3A_749 = arith.addf %add3A_735, %get3A_748 : vector<16xf32>
        %add3A_750 = arith.constant 18 : i32
        %add3A_751 = arith.addi %mul3A_497, %add3A_750 : i32
        %get3A_752 = arith.index_cast %add3A_751 : i32 to index
        %get3A_753 = arith.constant 16 : index
        %get3A_754 = tpu.vector_load %arg8[%get3A_752, %get3A_753] {strides = array<i32>} : memref<1280x32xf32, #tpu.memory_space<vmem>>, vector<1x16xf32>,
        %get3A_755 = vector.shape_cast %get3A_754 : vector<1x16xf32> to vector<16xf32>
        %add3A_756 = arith.addf %add3A_742, %get3A_755 : vector<16xf32>
        %add3A_757 = arith.constant 19 : i32
        %add3A_758 = arith.addi %mul3A_497, %add3A_757 : i32
        %get3A_759 = arith.index_cast %add3A_758 : i32 to index
        %get3A_760 = arith.constant 0 : index
        %get3A_761 = tpu.vector_load %arg8[%get3A_759, %get3A_760] {strides = array<i32>} : memref<1280x32xf32, #tpu.memory_space<vmem>>, vector<1x16xf32>,
        %get3A_762 = vector.shape_cast %get3A_761 : vector<1x16xf32> to vector<16xf32>
        %add3A_763 = arith.addf %add3A_749, %get3A_762 : vector<16xf32>
        %add3A_764 = arith.constant 19 : i32
        %add3A_765 = arith.addi %mul3A_497, %add3A_764 : i32
        %get3A_766 = arith.index_cast %add3A_765 : i32 to index
        %get3A_767 = arith.constant 16 : index
        %get3A_768 = tpu.vector_load %arg8[%get3A_766, %get3A_767] {strides = array<i32>} : memref<1280x32xf32, #tpu.memory_space<vmem>>, vector<1x16xf32>,
        %get3A_769 = vector.shape_cast %get3A_768 : vector<1x16xf32> to vector<16xf32>
        %add3A_770 = arith.addf %add3A_756, %get3A_769 : vector<16xf32>
        %swap3A = arith.index_cast %add3A_495 : i32 to index
        %swap3A_771 = arith.constant 0 : index
        %swap3A_772 = tpu.vector_load %arg10[%swap3A, %swap3A_771] {strides = array<i32>} : memref<64x32xf32, #tpu.memory_space<vmem>>, vector<1x16xf32>,
        %swap3A_773 = vector.shape_cast %swap3A_772 : vector<1x16xf32> to vector<16xf32>
        %swap3A_774 = vector.shape_cast %add3A_763 : vector<16xf32> to vector<1x16xf32>
        tpu.vector_store %arg10[%swap3A, %swap3A_771], %swap3A_774 {strides = array<i32>} : memref<64x32xf32, #tpu.memory_space<vmem>>, vector<1x16xf32>,
        %swap3A_775 = arith.index_cast %add3A_495 : i32 to index
        %swap3A_776 = arith.constant 16 : index
        %swap3A_777 = tpu.vector_load %arg10[%swap3A_775, %swap3A_776] {strides = array<i32>} : memref<64x32xf32, #tpu.memory_space<vmem>>, vector<1x16xf32>,
        %swap3A_778 = vector.shape_cast %swap3A_777 : vector<1x16xf32> to vector<16xf32>
        %swap3A_779 = vector.shape_cast %add3A_770 : vector<16xf32> to vector<1x16xf32>
        tpu.vector_store %arg10[%swap3A_775, %swap3A_776], %swap3A_779 {strides = array<i32>} : memref<64x32xf32, #tpu.memory_space<vmem>>, vector<1x16xf32>,
      }
      %scan3A_439 = arith.constant 64 : i32
      %mul3A_440 = arith.constant 128 : i32
      %mul3A_441 = arith.muli %add3A, %mul3A_440 : i32
      %jit3A_442 = arith.constant 2 : i32
      %eq3A_443 = arith.constant 0 : i32
      %eq3A_444 = arith.cmpi eq, %jit3A_442, %eq3A_443 : i32
      %jit3A_445 = arith.constant 1 : i32
      %select_n3A_446 = arith.select %eq3A_444, %jit3A_445, %jit3A_442 : i32
      %rem3A_447 = arith.remsi %add3A_315, %select_n3A_446 : i32
      %ne3A_448 = arith.constant 0 : i32
      %ne3A_449 = arith.cmpi ne, %rem3A_447, %ne3A_448 : i32
      %lt3A_450 = arith.constant 0 : i32
      %lt3A_451 = arith.cmpi slt, %rem3A_447, %lt3A_450 : i32
      %lt3A_452 = arith.constant 0 : i32
      %lt3A_453 = arith.cmpi slt, %select_n3A_446, %lt3A_452 : i32
      %ne3A_454 = arith.xori %lt3A_451, %lt3A_453 : i1
      %and3A_455 = arith.andi %ne3A_454, %ne3A_449 : i1
      %add3A_456 = arith.addi %rem3A_447, %select_n3A_446 : i32
      %select_n3A_457 = arith.select %and3A_455, %add3A_456, %rem3A_447 : i32
      %mul3A_458 = arith.constant 64 : i32
      %mul3A_459 = arith.muli %select_n3A_457, %mul3A_458 : i32
      %add3A_460 = arith.addi %mul3A_441, %mul3A_459 : i32
      %jit3A_461 = arith.constant 2 : i32
      %div3A_462 = arith.divsi %add3A_315, %jit3A_461 : i32
      %sign3A_463 = arith.constant 0 : i32
      %sign3A_464 = arith.cmpi sgt, %add3A_315, %sign3A_463 : i32
      %sign3A_465 = arith.extui %sign3A_464 : i1 to i32
      %sign3A_466 = arith.constant 0 : i32
      %sign3A_467 = arith.cmpi slt, %add3A_315, %sign3A_466 : i32
      %sign3A_468 = arith.extui %sign3A_467 : i1 to i32
      %sign3A_469 = arith.subi %sign3A_465, %sign3A_468 : i32
      %sign3A_470 = arith.constant 0 : i32
      %sign3A_471 = arith.cmpi sgt, %jit3A_461, %sign3A_470 : i32
      %sign3A_472 = arith.extui %sign3A_471 : i1 to i32
      %sign3A_473 = arith.constant 0 : i32
      %sign3A_474 = arith.cmpi slt, %jit3A_461, %sign3A_473 : i32
      %sign3A_475 = arith.extui %sign3A_474 : i1 to i32
      %sign3A_476 = arith.subi %sign3A_472, %sign3A_475 : i32
      %ne3A_477 = arith.cmpi ne, %sign3A_469, %sign3A_476 : i32
      %rem3A_478 = arith.remsi %add3A_315, %jit3A_461 : i32
      %ne3A_479 = arith.constant 0 : i32
      %ne3A_480 = arith.cmpi ne, %rem3A_478, %ne3A_479 : i32
      %and3A_481 = arith.andi %ne3A_477, %ne3A_480 : i1
      %sub3A_482 = arith.constant 1 : i32
      %sub3A_483 = arith.subi %div3A_462, %sub3A_482 : i32
      %select_n3A_484 = arith.select %and3A_481, %sub3A_483, %div3A_462 : i32
      %dma_start3A_485 = arith.constant 0 : i32
      %dma_start3A_486 = tpu.memref_slice %arg4[%add3A_460, %select_n3A_484, %dma_start3A_485] : memref<4096x13x32xf32, #tpu.memory_space<hbm>> -> memref<64x1x32xf32, #tpu.memory_space<hbm>>
      %dma_start3A_487 = tpu.memref_squeeze %dma_start3A_486 : memref<64x1x32xf32, #tpu.memory_space<hbm>> -> memref<64x32xf32, #tpu.memory_space<hbm>>
      %dma_start3A_488 = arith.constant 0 : i32
      %dma_start3A_489 = tpu.memref_slice %arg4[%add3A_460, %select_n3A_484, %dma_start3A_488] : memref<4096x13x32xf32, #tpu.memory_space<hbm>> -> memref<64x1x32xf32, #tpu.memory_space<hbm>>
      %dma_start3A_490 = tpu.memref_squeeze %dma_start3A_489 : memref<64x1x32xf32, #tpu.memory_space<hbm>> -> memref<64x32xf32, #tpu.memory_space<hbm>>
      tpu.enqueue_dma source(%arg10 : memref<64x32xf32, #tpu.memory_space<vmem>>) target(%dma_start3A_490 : memref<64x32xf32, #tpu.memory_space<hbm>>) target_semaphore(%arg16 : memref<!tpu.dma_semaphore, #tpu.memory_space<semaphore_mem>>)
    }
    %scan3A_123 = arith.constant 13 : i32
    %mul3A_124 = arith.constant 128 : i32
    %mul3A_125 = arith.muli %add3A, %mul3A_124 : i32
    %add3A_126 = arith.constant 0 : i32
    %add3A_127 = arith.addi %mul3A_125, %add3A_126 : i32
    %dma_wait3A = arith.constant 12 : i32
    %dma_wait3A_128 = arith.constant 0 : i32
    %dma_wait3A_129 = tpu.memref_slice %arg4[%add3A_127, %dma_wait3A, %dma_wait3A_128] : memref<4096x13x32xf32, #tpu.memory_space<hbm>> -> memref<64x1x32xf32, #tpu.memory_space<hbm>>
    %dma_wait3A_130 = tpu.memref_squeeze %dma_wait3A_129 : memref<64x1x32xf32, #tpu.memory_space<hbm>> -> memref<64x32xf32, #tpu.memory_space<hbm>>
    %dma_wait3A_131 = arith.constant 0 : i32
    %dma_wait3A_132 = tpu.memref_slice %arg4[%add3A_127, %dma_wait3A, %dma_wait3A_131] : memref<4096x13x32xf32, #tpu.memory_space<hbm>> -> memref<64x1x32xf32, #tpu.memory_space<hbm>>
    %dma_wait3A_133 = tpu.memref_squeeze %dma_wait3A_132 : memref<64x1x32xf32, #tpu.memory_space<hbm>> -> memref<64x32xf32, #tpu.memory_space<hbm>>
    tpu.wait_dma2 semaphore(%arg15 : memref<!tpu.dma_semaphore, #tpu.memory_space<semaphore_mem>>) src(%arg9 : memref<64x32xf32, #tpu.memory_space<vmem>>) dst(%dma_wait3A_133 : memref<64x32xf32, #tpu.memory_space<hbm>>)
    %mul3A_134 = arith.constant 128 : i32
    %mul3A_135 = arith.muli %add3A, %mul3A_134 : i32
    %add3A_136 = arith.constant 64 : i32
    %add3A_137 = arith.addi %mul3A_135, %add3A_136 : i32
    %dma_wait3A_138 = arith.constant 12 : i32
    %dma_wait3A_139 = arith.constant 0 : i32
    %dma_wait3A_140 = tpu.memref_slice %arg4[%add3A_137, %dma_wait3A_138, %dma_wait3A_139] : memref<4096x13x32xf32, #tpu.memory_space<hbm>> -> memref<64x1x32xf32, #tpu.memory_space<hbm>>
    %dma_wait3A_141 = tpu.memref_squeeze %dma_wait3A_140 : memref<64x1x32xf32, #tpu.memory_space<hbm>> -> memref<64x32xf32, #tpu.memory_space<hbm>>
    %dma_wait3A_142 = arith.constant 0 : i32
    %dma_wait3A_143 = tpu.memref_slice %arg4[%add3A_137, %dma_wait3A_138, %dma_wait3A_142] : memref<4096x13x32xf32, #tpu.memory_space<hbm>> -> memref<64x1x32xf32, #tpu.memory_space<hbm>>
    %dma_wait3A_144 = tpu.memref_squeeze %dma_wait3A_143 : memref<64x1x32xf32, #tpu.memory_space<hbm>> -> memref<64x32xf32, #tpu.memory_space<hbm>>
    tpu.wait_dma2 semaphore(%arg16 : memref<!tpu.dma_semaphore, #tpu.memory_space<semaphore_mem>>) src(%arg10 : memref<64x32xf32, #tpu.memory_space<vmem>>) dst(%dma_wait3A_144 : memref<64x32xf32, #tpu.memory_space<hbm>>)
    return
  }
}

</mosaic_0001>

<sc_bundles>
// kernel: _sc_lookup.3.cloned.1.call-start
scs
__scs_entry_jumppad:
0x0: {  	(pc) =	sbr.rel $0x88, $3  }
0x1: {  	(tag) =	ssettag $0x0;
	lr =	simm.s32 $0x1  }
0x2: {  	[smem:$0x3F9F] =	sst lr;
	_ =	strace $0xD0000000  }
0x3: {  	_ = 	snop  }
0x4: {  	_ = 	snop  }
0x5: {  	_ = 	snop  }
0x6: {  	_ = 	snop  }
0x7: {  	_ = 	snop  }
__scs_overlays_trampoline_lowered:
0x8: {  	[smem:$0x3FAE] =	sst s0  }
0x9: {  	[smem:$0x3FAF] =	sst s1  }
0xa: {  	[smem:$0x3FB0] =	sst s2  }
0xb: {  	[smem:$0x3FB1] =	sst s3  }
0xc: {  	[smem:$0x3FB2] =	sst s4  }
0xd: {  	[smem:$0x3FB3] =	sst s5  }
0xe: {  	[smem:$0x3FB4] =	sst s6  }
0xf: {  	[smem:$0x3FB5] =	sst s7  }
0x10: {  	[smem:$0x3FB6] =	sst s8  }
0x11: {  	[smem:$0x3FB7] =	sst s9;
	s0 =	simm.s32 @!p0 $0x0  }
0x12: {  	s1 =	sld [smem:$0x3F9D];
	s0 =	simm.s32 @p0 $0x1  }
0x13: {  	[smem:$0x3FB8] =	sst s0;
	s0 =	simm.s32 @!p1 $0x0  }
0x14: {  	s2 =	sld [smem:$0x3F9C];
	s0 =	simm.s32 @p1 $0x1  }
0x15: {  	[smem:$0x3FB9] =	sst s0;
	s0 =	simm.s32 @!p2 $0x0  }
0x16: {  	s3 =	sld [smem:$0x3FDB];
	s0 =	simm.s32 @p2 $0x1  }
0x17: {  	s4 =	simm.s32 $0x1BF5;
	[smem:$0x3FBB] =	sst s0  }
0x18: {  	s0 =	sld [smem:$0x3F9E];
	_ =	swait.ge [sflag:s4], $0x0  }
0x19: {  	s7 =	sld [smem:$0x3F9F]  }
0x1a: {  	s8 =	sadd.s32 $0xFFFFE003, lr  }
0x1b: {  	s9 =	sadd.s32 $0xFFFFFEF7, lr;
	s5 =	simm.s32 $0xFFFFFFFF;
	p2 =	slt.u32 s8, $0xFFFFF086  }
0x1c: {  	p1 =	slt.u32 s9, $0xF7A;
	s5 =	simm.s32 @!p2 $0x0  }
0x1d: {  	s5 =	simm.s32 @p1 $0x1;
	p0 =	seq.s32 s7, s2  }
0x1e: {  	s7 =	smul.u32 @!p0 $0xF7A, s2;
	p2 =	seq.s32 @!p0 s5, $0x0  }
0x1f: {  	s9 =	smul.u32 $0xF7A, s1;
	s8 =	simm.s32 @!p0 $0x1BF5;
	p2 =	por !p2, p0  }
0x20: {  	[sflag:s8] =	ssyncset.s32 @!p0 $0xFFFFF086;
	s6 =	sadd.s32 @!p0 s3, s7;
	s7 =	simm.s32 @!p0 $0x108  }
0x21: {  	s3 =	sadd.s32 s3, s9;
	s6 =	sadd.s32 @!p0 $0x88, s6;
	s7 =	simm.s32 @p2 $0x1082  }
0x22: {  	[simem:s7], [sflag:s8] =	dma.local @!p0 [hbm:s6], $0xF7A  }
0x23: {  	s9 =	sor.u32 $0xD0000000, s2;
	s6 =	simm.s32 $0x108;
	_ =	swait.ge @!p0 [sflag:s8], $0x0  }
0x24: {  	s3 =	sadd.s32 $0x88, s3;
	s6 =	simm.s32 @!p1 $0x1082;
	[sflag:s4] =	ssyncset.s32 $0xFFFFF086  }
0x25: {  	[simem:s6], [sflag:s4] =	dma.local [hbm:s3], $0xF7A  }
0x26: {  	[smem:$0x3F9F] =	sst s1;
	(tag) =	ssettag s2;
	_ =	strace s9  }
0x27: {  	s1 =	sld [smem:$0x3FAF]  }
0x28: {  	s2 =	sld [smem:$0x3FB0]  }
0x29: {  	s4 =	sld [smem:$0x3FB2]  }
0x2a: {  	p0 =	seq.s32 s5, $0x0;
	s5 =	sld [smem:$0x3FB3]  }
0x2b: {  	s6 =	sld [smem:$0x3FB4]  }
0x2c: {  	s7 =	sld [smem:$0x3FB5]  }
0x2d: {  	s3 =	simm.s32 $0x108;
	s8 =	sld [smem:$0x3FB6]  }
0x2e: {  	s3 =	simm.s32 @!p0 $0x1082;
	s9 =	sld [smem:$0x3FB7]  }
0x2f: {  	lr =	sadd.s32 s0, s3;
	s0 =	sld [smem:$0x3FAE]  }
0x30: {  	s3 =	sld [smem:$0x3FB1]  }
0x31: {  	[smem:$0x3FBA] =	sst s10  }
0x32: {  	s10 =	sld [smem:$0x3FB8];
	_ =	sdelay $0x3  }
0x33: {  	p0 =	seq.s32 s10, $0x1;
	s10 =	sld [smem:$0x3FBA];
	_ =	sdelay $0x3  }
0x34: {  	[smem:$0x3FBA] =	sst s10  }
0x35: {  	s10 =	sld [smem:$0x3FB9];
	_ =	sdelay $0x3  }
0x36: {  	p1 =	seq.s32 s10, $0x1;
	s10 =	sld [smem:$0x3FBA];
	_ =	sdelay $0x3  }
0x37: {  	[smem:$0x3FBA] =	sst s10  }
0x38: {  	s10 =	sld [smem:$0x3FBB]  }
0x39: {  	_ = 	snop;
	(pc) =	sbr.ind lr, $3  }
0x3a: {  	_ = 	snop  }
0x3b: {  	_ = 	snop  }
0x3c: {  	p2 =	seq.s32 s10, $0x1;
	s10 =	sld [smem:$0x3FBA]  }
0x3d: {  	_ =	shalt  }
0x3e: {  	_ =	shalt  }
0x3f: {  	_ =	shalt  }
0x40: {  	_ =	shalt  }
0x41: {  	_ =	shalt  }
0x42: {  	_ =	shalt  }
0x43: {  	_ =	shalt  }
0x44: {  	_ =	shalt  }
0x45: {  	_ =	shalt  }
0x46: {  	_ =	shalt  }
0x47: {  	_ =	shalt  }
0x48: {  	_ =	shalt  }
0x49: {  	_ =	shalt  }
0x4a: {  	_ =	shalt  }
0x4b: {  	_ =	shalt  }
0x4c: {  	_ =	shalt  }
0x4d: {  	_ =	shalt  }
0x4e: {  	_ =	shalt  }
0x4f: {  	_ =	shalt  }
0x50: {  	_ =	shalt  }
0x51: {  	_ =	shalt  }
0x52: {  	_ =	shalt  }
0x53: {  	_ =	shalt  }
0x54: {  	_ =	shalt  }
0x55: {  	_ =	shalt  }
0x56: {  	_ =	shalt  }
0x57: {  	_ =	shalt  }
0x58: {  	_ =	shalt  }
0x59: {  	_ =	shalt  }
0x5a: {  	_ =	shalt  }
0x5b: {  	_ =	shalt  }
0x5c: {  	_ =	shalt  }
0x5d: {  	_ =	shalt  }
0x5e: {  	_ =	shalt  }
0x5f: {  	_ =	shalt  }
0x60: {  	_ =	shalt  }
0x61: {  	_ =	shalt  }
0x62: {  	_ =	shalt  }
0x63: {  	_ =	shalt  }
0x64: {  	_ =	shalt  }
0x65: {  	_ =	shalt  }
0x66: {  	_ =	shalt  }
0x67: {  	_ =	shalt  }
0x68: {  	_ =	shalt  }
0x69: {  	_ =	shalt  }
0x6a: {  	_ =	shalt  }
0x6b: {  	_ =	shalt  }
0x6c: {  	_ =	shalt  }
0x6d: {  	_ =	shalt  }
0x6e: {  	_ =	shalt  }
0x6f: {  	_ =	shalt  }
0x70: {  	_ =	shalt  }
0x71: {  	_ =	shalt  }
0x72: {  	_ =	shalt  }
0x73: {  	_ =	shalt  }
0x74: {  	_ =	shalt  }
0x75: {  	_ =	shalt  }
0x76: {  	_ =	shalt  }
0x77: {  	_ =	shalt  }
0x78: {  	_ =	shalt  }
0x79: {  	_ =	shalt  }
0x7a: {  	_ =	shalt  }
0x7b: {  	_ =	shalt  }
0x7c: {  	_ =	shalt  }
0x7d: {  	_ =	shalt  }
0x7e: {  	_ =	shalt  }
0x7f: {  	_ =	shalt  }
0x80: {  	_ =	shalt  }
0x81: {  	_ =	shalt  }
0x82: {  	_ =	shalt  }
0x83: {  	_ =	shalt  }
0x84: {  	_ =	shalt  }
0x85: {  	_ =	shalt  }
0x86: {  	_ =	shalt  }
0x87: {  	_ =	shalt  }
.Lfunc_end0:
.L_simem_size_0:
called_computation_lowered:
.L_overlay_start_0:
0x88: {  	s2 =	sld [smem:$0x3FD9]  }
0x89: {  	s3 =	sld [smem:$0x3FFE];
	_ =	sdelay $0x1  }
0x8a: {  	s1 =	srdreg.scid  }
0x8b: {  	s0 =	sand.u32 $0x1, s1  }
0x8c: {  	s17 =	sshll.u32 s0, $0xA;
	s2 =	sadd.s32 s3, s2  }
0x8d: {  	s2 =	sadd.s32 s2, s17  }
0x8e: {  	[smem:$0x3FC6] =	sst s2  }
0x8f: {  	_ = 	snop  }
0x90: {  	s2 =	sld [smem:$0x3FD0];
	(tm) =	ssettm $0x1  }
0x91: {  	s18 =	sld [smem:$0x3FFB];
	_ =	sdelay $0x3  }
0x92: {  	_ =	strace s18  }
0x93: {  	s3 =	sld [smem:$0x3FFC];
	_ =	sdelay $0x3  }
0x94: {  	_ =	strace s3  }
0x95: {  	s3 =	sld [smem:$0x3FFD];
	_ =	sdelay $0x3  }
0x96: {  	_ =	strace s3  }
0x97: {  	_ =	strace $0x8FFFFFFF  }
0x98: {  	s19 =	sld [smem:$0x3FDB];
	_ =	sdelay $0x1  }
0x99: {  	s4 =	simm.s32 $_scs_section_size  }
0x9a: {  	s5 =	simm.s32 $_size__tile_overlayer_lowered;
	s6 =	simm.s32 $_tile_overlayer_lowered  }
0x9b: {  	s22 =	simm.s32 $0x1BFF;
	s21 =	sshll.u32 s6, $0x1;
	s3 =	sadd.s32 s4, s19  }
0x9c: {  	s7 =	simm.s32 $0x0;
	s20 =	sshll.u32 s5, $0x1;
	s5 =	sadd.s32 s21, s3  }
0x9d: {  	[timem:s7], [sflag:s22] =	dma.local [hbm:s5], s20  }
0x9e: {  	_ =	swait.ge [sflag:s22], s20  }
0x9f: {  	s4 =	ssub.s32 $0x0, s20;
	[sflag:s22] =	ssyncset.done $0x0  }
0xa0: {  	[sflag:s22] =	ssyncadd.s32 s4;
	_ =	sdelay $0x1  }
0xa1: {  	s23 =	simm.s32 $0x1B8B  }
0xa2: {  	_ =	swait.ge [sflag:s23], $0x1  }
0xa3: {  	[sflag:s23] =	ssyncset.done $0x0  }
0xa4: {  	s25 =	simm.s32 $0x1B8E;
	s24 =	sld [smem:$0x3FFE];
	[sflag:s23] =	ssyncadd.s32 $0xFFFFFFFF  }
0xa5: {  	s26 =	simm.s32 $execute0_lowered;
	[smem:$0x3FD2] =	sst s25  }
0xa6: {  	s5 =	sshll.u32 s26, $0x1;
	_ =	strace $0x80000046;
	[dreg:$0x1] =	wrdreg $0xFFFFFFFF  }
0xa7: {  	s28 =	simm.s32 $_size_execute0_lowered;
	s3 =	sadd.s32 s3, s5;
	[dreg:$0x0] =	wrdreg $0x0  }
0xa8: {  	s5 =	sshll.u32 s28, $0x1;
	[dreg:$0x2] =	wrdreg s3  }
0xa9: {  	[dreg:$0x3] =	wrdreg s5  }
0xaa: {  	[dreg:$0x4] =	wrdreg $0xC0  }
0xab: {  	_ =	task [dreg:s7], $0x5FFFF  }
0xac: {  	[dreg:$0x1] =	wrdreg $0xFFFFFFFF  }
0xad: {  	[dreg:$0x0] =	wrdreg $0x60  }
0xae: {  	[dreg:$0x2] =	wrdreg s24  }
0xaf: {  	[dreg:$0x3] =	wrdreg s2  }
0xb0: {  	[dreg:$0x4] =	wrdreg $0x9  }
0xb1: {  	_ =	task.clear_ibuf [dreg:s7], $0x5FFFF;
	_ =	strace $0x90000046  }
0xb2: {  	s29 =	simm.s32 $0x9;
	_ =	strace $0x80000048  }
0xb3: {  	_ =	swait.ge [sflag:s29], $0x1  }
0xb4: {  	[sflag:s29] =	ssyncadd.s32 $0xFFFFFFFF  }
0xb5: {  	_ =	strace $0x90000048  }
0xb6: {  	_ =	sfence  }
0xb7: {  	s30 =	sld [smem:$0x0];
	_ =	sdelay $0x2  }
0xb8: {  	s31 =	sshll.u32 s1, $0xD;
	s1 =	sshrl.u32 s1, $0x2  }
0xb9: {  	s3 =	sand.u32 $0x4000, s31;
	s1 =	sadd.s32 s1, s30  }
0xba: {  	s0 =	sor.u32 s3, s0;
	s1 =	sshll.u32 s1, $0x11  }
0xbb: {  	s0 =	sor.u32 s1, s0  }
0xbc: {  	s0 =	sadd.s32 $0x8F2B, s0  }
0xbd: {  	[sflag:s0] =	ssyncadd.remote.s32 $0x1  }
0xbe: {  	_ =	sfence.sel $0xFFFF  }
0xbf: {  	[dreg:$0x0] =	wrdreg $0xFFFFFFFF;
	(pc) =	sbr.abs _section_cstart, $3  }
0xc0: {  	[dreg:$0x1] =	wrdreg $0xFFFFFFFF  }
0xc1: {  	_ =	task.clear_ibuf [dreg:s7], $0x2FFFF;
	_ =	strace $0x9FFFFFFF  }
0xc2: {  	(tm) =	ssettm $0x7FFFFFFF  }
0xc3: {  	_ =	shalt  }
tec
execute0_lowered:
.L_overlay_start_1:
0x0: {  	(tag) =	ssettag $0x1  }
0x1: {  	s0 =	rddreg [dreg:$0x0]  }
0x2: {  	s2 =	rddreg [dreg:$0x1]  }
0x3: {  	s4 =	simm.s32 $0x0;
	s1 =	srdreg.scid;
	s3 =	stileid.u32  }
0x4: {  	s13 =	simm.s32 $0x80;
	s14 =	simm.s32 $0x3;
	s15 =	simm.s32 $0x2  }
0x5: {  	s28 =	simm.s32 $0x800;
	s29 =	simm.s32 $0x10A00;
	s30 =	simm.s32 $0x880  }
0x6: {  	s31 =	simm.s32 $0x11A00;
	s8 =	simm.s32 $0x980;
	s11 =	simm.s32 $0x13A00  }
0x7: {  	s12 =	simm.s32 $0x1A0;
	s16 =	simm.s32 $0x14A00;
	s17 =	simm.s32 $0x4  }
0x8: {  	s18 =	simm.s32 $0x15200;
	s19 =	simm.s32 $0x6;
	s21 =	simm.s32 $0x0  }
0x9: {  	[smem:$0x7FF] =	sst s4;
	s1 =	sand.u32 $0x1, s1;
	s3 =	sshll.u32 s3, $0x1  }
0xa: {  	s4 =	sadd.s32 $0x600, s0;
	s3 =	sor.u32 s1, s3;
	s1 =	ssub.s32 $0x2, s1  }
0xb: {  	s5 =	sadd.s32 $0x1A00600, s0;
	s6 =	smul.u32 $0xA00, s3;
	s25 =	sshrl.u32 s1, $0x1  }
0xc: {  	_ =	strace $0x80000047;
	s7 =	smul.u32 $0x140, s3;
	s0 =	ssub.s32 s1, s25  }
0xd: {  	s25 =	simm.s32 $0x780;
	s26 =	sshrl.u32 s6, $0x3;
	s6 =	smul.u32 $0xD000, s3  }
0xe: {  	s3 =	sshll.u32 s3, $0x1;
	s7 =	sadd.s32 s4, s7;
	s0 =	smax.u32 s0, $0x1  }
0xf: {  	[dreg:$0x3] =	wrdreg s7;
	s1 =	sadd.s32 s4, s26;
	s9 =	sor.u32 $0x40, s3  }
0x10: {  	[dreg:$0x5] =	wrdreg s0;
	s26 =	simm.s32 $0xFA00;
	s0 =	simm.s32 $0x900  }
0x11: {  	s7 =	simm.s32 $0x12A00;
	s3 =	simm.s32 $0x20;
	s1 =	sadd.s32 $0xA0, s1  }
0x12: {  	s10 =	sadd.s32 $0x6800, s6;
	[dreg:$0x4] =	wrdreg s1;
	s1 =	simm.s32 $0x500  }
.LBB2_1:
0x13: {  	[dreg:$0x6] =	wrdreg s21  }
0x14: {  	s20 =	simm.s32 $0x0;
	s23 =	rddreg [dreg:$0x3];
	s24 =	simm.s32 $0x7  }
0x15: {  	[tilespmem:s20], [sflag:$0x7] =	stream.linear.gather [hbm4b:s23+s20], $0x500, $0x38;
	[tilespmem:$0x15A00] =	vst v63  }
0x16: {  	_ =	swait.ge [sflag:s24], $0x500  }
0x17: {  	[sflag:s24] =	ssyncset.done $0x0  }
0x18: {  	s22 =	simm.s32 $0xA00;
	[sflag:s24] =	ssyncadd.s32 $0xFFFFFB00  }
0x19: {  	[tilespmem:s22], [sflag:$0x3] =	stream.indirect.gather [hbm4b:s5+s13], $0x20, s20, s13, $0xb8;
	[tilespmem:$0x15A00] =	vst v63  }
0x1a: {  	s23 =	simm.s32 $0x1A00  }
0x1b: {  	[tilespmem:s23], [sflag:$0x3] =	stream.indirect.gather [hbm4b:s5+s13], $0x20, s13, s13, $0xb8;
	[tilespmem:$0x15A00] =	vst v63  }
0x1c: {  	s24 =	simm.s32 $0x100;
	s22 =	simm.s32 $0x2A00  }
0x1d: {  	[tilespmem:s22], [sflag:$0x3] =	stream.indirect.gather [hbm4b:s5+s13], $0x20, s24, s13, $0xb8;
	[tilespmem:$0x15A00] =	vst v63  }
0x1e: {  	s23 =	simm.s32 $0x180;
	s24 =	simm.s32 $0x3A00  }
0x1f: {  	[tilespmem:s24], [sflag:$0x3] =	stream.indirect.gather [hbm4b:s5+s13], $0x20, s23, s13, $0xb8;
	[tilespmem:$0x15A00] =	vst v63  }
0x20: {  	s23 =	simm.s32 $0x200;
	s24 =	simm.s32 $0x4A00  }
0x21: {  	[tilespmem:s24], [sflag:$0x3] =	stream.indirect.gather [hbm4b:s5+s13], $0x20, s23, s13, $0xb8;
	[tilespmem:$0x15A00] =	vst v63  }
0x22: {  	s23 =	simm.s32 $0x280;
	s24 =	simm.s32 $0x5A00  }
0x23: {  	[tilespmem:s24], [sflag:$0x3] =	stream.indirect.gather [hbm4b:s5+s13], $0x20, s23, s13, $0xb8;
	[tilespmem:$0x15A00] =	vst v63  }
0x24: {  	s23 =	simm.s32 $0x300;
	s24 =	simm.s32 $0x6A00  }
0x25: {  	[tilespmem:s24], [sflag:$0x3] =	stream.indirect.gather [hbm4b:s5+s13], $0x20, s23, s13, $0xb8;
	[tilespmem:$0x15A00] =	vst v63  }
0x26: {  	s23 =	simm.s32 $0x380;
	s24 =	simm.s32 $0x7A00  }
0x27: {  	[tilespmem:s24], [sflag:$0x3] =	stream.indirect.gather [hbm4b:s5+s13], $0x20, s23, s13, $0xb8;
	[tilespmem:$0x15A00] =	vst v63  }
0x28: {  	s23 =	simm.s32 $0x400;
	s24 =	simm.s32 $0x8A00  }
0x29: {  	[tilespmem:s24], [sflag:$0x3] =	stream.indirect.gather [hbm4b:s5+s13], $0x20, s23, s13, $0xb8;
	[tilespmem:$0x15A00] =	vst v63  }
0x2a: {  	s22 =	simm.s32 $0x480;
	s23 =	simm.s32 $0x9A00  }
0x2b: {  	[tilespmem:s23], [sflag:$0x3] =	stream.indirect.gather [hbm4b:s5+s13], $0x20, s22, s13, $0xb8;
	[tilespmem:$0x15A00] =	vst v63  }
0x2c: {  	s24 =	rddreg [dreg:$0x4]  }
0x2d: {  	[tilespmem:s1], [sflag:$0x2] =	stream.linear.gather [hbm4b:s24+s20], $0x500, $0x38;
	[tilespmem:$0x15A00] =	vst v63  }
0x2e: {  	s20 =	simm.s32 $0x0  }
.LBB2_2:
0x2f: {  	_ =	swait.ge [sflag:s14], $0x1000  }
0x30: {  	[sflag:s14] =	ssyncset.done $0x0  }
0x31: {  	[sflag:s14] =	ssyncadd.s32 $0xFFFFF000  }
0x32: {  	_ =	swait.ge [sflag:s14], $0x1000  }
0x33: {  	[sflag:s14] =	ssyncset.done $0x0  }
0x34: {  	[sflag:s14] =	ssyncadd.s32 $0xFFFFF000  }
0x35: {  	_ =	swait.ge [sflag:s14], $0x1000  }
0x36: {  	[sflag:s14] =	ssyncset.done $0x0  }
0x37: {  	[sflag:s14] =	ssyncadd.s32 $0xFFFFF000  }
0x38: {  	_ =	swait.ge [sflag:s14], $0x1000  }
0x39: {  	[sflag:s14] =	ssyncset.done $0x0  }
0x3a: {  	[sflag:s14] =	ssyncadd.s32 $0xFFFFF000  }
0x3b: {  	_ =	swait.ge [sflag:s14], $0x1000  }
0x3c: {  	[sflag:s14] =	ssyncset.done $0x0  }
0x3d: {  	[sflag:s14] =	ssyncadd.s32 $0xFFFFF000  }
0x3e: {  	_ =	swait.ge [sflag:s14], $0x1000  }
0x3f: {  	[sflag:s14] =	ssyncset.done $0x0  }
0x40: {  	[sflag:s14] =	ssyncadd.s32 $0xFFFFF000  }
0x41: {  	_ =	swait.ge [sflag:s14], $0x1000  }
0x42: {  	[sflag:s14] =	ssyncset.done $0x0  }
0x43: {  	[sflag:s14] =	ssyncadd.s32 $0xFFFFF000  }
0x44: {  	_ =	swait.ge [sflag:s14], $0x1000  }
0x45: {  	[sflag:s14] =	ssyncset.done $0x0  }
0x46: {  	[sflag:s14] =	ssyncadd.s32 $0xFFFFF000  }
0x47: {  	p0 =	seq.s32 s20, $0xC;
	_ =	swait.ge [sflag:s14], $0x1000  }
0x48: {  	s21 =	sshll.u32 @!p0 s20, $0x6;
	[sflag:s14] =	ssyncset.done $0x0  }
0x49: {  	s22 =	sadd.s32 @!p0 s9, s21;
	[sflag:s14] =	ssyncadd.s32 $0xFFFFF000  }
0x4a: {  	s21 =	smul.u32 @!p0 $0xA0, s22;
	_ =	swait.ge [sflag:s14], $0x1000  }
0x4b: {  	[sflag:s14] =	ssyncset.done $0x0  }
0x4c: {  	s23 =	simm.s32 @!p0 $0x0;
	s21 =	sadd.s32 @!p0 s4, s21;
	[sflag:s14] =	ssyncadd.s32 $0xFFFFF000  }
0x4d: {  	[tilespmem:s23], [sflag:$0x1] =	stream.linear.gather @!p0 [hbm4b:s21+s23], $0x500, $0x38;
	[tilespmem:$0x15A00] =	vst v63  }
0x4e: {  	_ =	swait.ge [sflag:s15], $0x500  }
0x4f: {  	[sflag:s15] =	ssyncset.done $0x0  }
0x50: {  	s24 =	simm.s32 $0xAA00;
	[sflag:s15] =	ssyncadd.s32 $0xFFFFFB00  }
0x51: {  	[tilespmem:s24], [sflag:$0x4] =	stream.indirect.gather [hbm4b:s5+s13], $0x20, s1, s13, $0xb8;
	[tilespmem:$0x15A00] =	vst v63  }
0x52: {  	s23 =	simm.s32 $0x580;
	s24 =	simm.s32 $0xBA00  }
0x53: {  	[tilespmem:s24], [sflag:$0x4] =	stream.indirect.gather [hbm4b:s5+s13], $0x20, s23, s13, $0xb8;
	[tilespmem:$0x15A00] =	vst v63  }
0x54: {  	s23 =	simm.s32 $0x600;
	s24 =	simm.s32 $0xCA00  }
0x55: {  	[tilespmem:s24], [sflag:$0x4] =	stream.indirect.gather [hbm4b:s5+s13], $0x20, s23, s13, $0xb8;
	[tilespmem:$0x15A00] =	vst v63  }
0x56: {  	s23 =	simm.s32 $0x680;
	s24 =	simm.s32 $0xDA00  }
0x57: {  	[tilespmem:s24], [sflag:$0x4] =	stream.indirect.gather [hbm4b:s5+s13], $0x20, s23, s13, $0xb8;
	[tilespmem:$0x15A00] =	vst v63  }
0x58: {  	s23 =	simm.s32 $0x700;
	s24 =	simm.s32 $0xEA00  }
0x59: {  	[tilespmem:s24], [sflag:$0x4] =	stream.indirect.gather [hbm4b:s5+s13], $0x20, s23, s13, $0xb8;
	[tilespmem:$0x15A00] =	vst v63  }
0x5a: {  	_ = 	snop  }
0x5b: {  	[tilespmem:s26], [sflag:$0x4] =	stream.indirect.gather [hbm4b:s5+s13], $0x20, s25, s13, $0xb8;
	[tilespmem:$0x15A00] =	vst v63  }
0x5c: {  	_ = 	snop  }
0x5d: {  	[tilespmem:s29], [sflag:$0x4] =	stream.indirect.gather [hbm4b:s5+s13], $0x20, s28, s13, $0xb8;
	[tilespmem:$0x15A00] =	vst v63  }
0x5e: {  	_ = 	snop  }
0x5f: {  	[tilespmem:s31], [sflag:$0x4] =	stream.indirect.gather [hbm4b:s5+s13], $0x20, s30, s13, $0xb8;
	[tilespmem:$0x15A00] =	vst v63  }
0x60: {  	p1 =	seq.s32 s20, $0x0  }
0x61: {  	[tilespmem:s7], [sflag:$0x4] =	stream.indirect.gather [hbm4b:s5+s13], $0x20, s0, s13, $0xb8;
	[tilespmem:$0x15A00] =	vst v63  }
0x62: {  	s21 =	simm.s32 @!p1 $0x5  }
0x63: {  	[tilespmem:s11], [sflag:$0x4] =	stream.indirect.gather [hbm4b:s5+s13], $0x20, s8, s13, $0xb8;
	[tilespmem:$0x15A00] =	vst v63  }
0x64: {  	_ =	swait.ge @!p1 [sflag:s21], $0x800  }
0x65: {  	[sflag:s21] =	ssyncset.done @!p1 $0x0  }
0x66: {  	[sflag:s21] =	ssyncadd.s32 @!p1 $0xFFFFF800;
	s21 =	simm.s32 $0xB40  }
0x67: {  	v0 =	vld [tilespmem:s21+$0xFFFFFEF0]  }
0x68: {  	v1 =	vld [tilespmem:s21+$0xFFFFFEC0]  }
0x69: {  	v2 =	vld [tilespmem:s21+$0xFFFFFEE0]  }
0x6a: {  	v3 =	vld [tilespmem:s21+$0xFFFFFED0]  }
0x6b: {  	v4 =	vld [tilespmem:s21+$0xFFFFFF00]  }
0x6c: {  	v5 =	vld [tilespmem:s21+$0xFFFFFF10]  }
0x6d: {  	v6 =	vld [tilespmem:s21+$0xFFFFFF20]  }
0x6e: {  	v7 =	vld [tilespmem:s21+$0xFFFFFF40];
	v1 =	vadd.f32 v2, v1  }
0x6f: {  	v2 =	vld [tilespmem:s21+$0xFFFFFF30]  }
0x70: {  	v44 =	vld [tilespmem:s21+$0xFFFFFF60];
	v0 =	vadd.f32 v0, v3;
	v1 =	vadd.f32 v4, v1  }
0x71: {  	v3 =	vld [tilespmem:s21+$0xFFFFFF50]  }
0x72: {  	v45 =	vld [tilespmem:s21+$0xFFFFFF70];
	v0 =	vadd.f32 v5, v0;
	v1 =	vadd.f32 v6, v1  }
0x73: {  	v46 =	vld [tilespmem:s21+$0xFFFFFF80]  }
0x74: {  	v47 =	vld [tilespmem:s21+$0xFFFFFFA0];
	v0 =	vadd.f32 v2, v0;
	v1 =	vadd.f32 v7, v1  }
0x75: {  	v2 =	vld [tilespmem:s21+$0xFFFFFF90]  }
0x76: {  	v48 =	vld [tilespmem:s21+$0xFFFFFFC0];
	v0 =	vadd.f32 v3, v0;
	v1 =	vadd.f32 v44, v1  }
0x77: {  	v3 =	vld [tilespmem:s21+$0xFFFFFFB0]  }
0x78: {  	v49 =	vld [tilespmem:s21+$0xFFFFFFD0];
	v0 =	vadd.f32 v45, v0;
	v1 =	vadd.f32 v46, v1  }
0x79: {  	v50 =	vld [tilespmem:s21+$0xFFFFFFE0]  }
0x7a: {  	v51 =	vld [tilespmem:s21+$0x0];
	v0 =	vadd.f32 v2, v0;
	v1 =	vadd.f32 v47, v1  }
0x7b: {  	v2 =	vld [tilespmem:s21+$0xFFFFFFF0]  }
0x7c: {  	v52 =	vld [tilespmem:s21+$0x20];
	v0 =	vadd.f32 v3, v0;
	v1 =	vadd.f32 v48, v1  }
0x7d: {  	v3 =	vld [tilespmem:s21+$0x10]  }
0x7e: {  	v53 =	vld [tilespmem:s21+$0x30];
	v0 =	vadd.f32 v49, v0;
	v1 =	vadd.f32 v50, v1  }
0x7f: {  	v54 =	vld [tilespmem:s21+$0x40]  }
0x80: {  	v55 =	vld [tilespmem:s21+$0x60];
	v0 =	vadd.f32 v2, v0;
	v1 =	vadd.f32 v51, v1  }
0x81: {  	v2 =	vld [tilespmem:s21+$0x50]  }
0x82: {  	v56 =	vld [tilespmem:s21+$0x80];
	v0 =	vadd.f32 v3, v0;
	v1 =	vadd.f32 v52, v1  }
0x83: {  	v3 =	vld [tilespmem:s21+$0x70]  }
0x84: {  	v57 =	vld [tilespmem:s21+$0x90];
	v0 =	vadd.f32 v53, v0;
	v1 =	vadd.f32 v54, v1  }
0x85: {  	v58 =	vld [tilespmem:s21+$0xA0]  }
0x86: {  	v59 =	vld [tilespmem:s21+$0xC0];
	v0 =	vadd.f32 v2, v0;
	v1 =	vadd.f32 v55, v1  }
0x87: {  	v2 =	vld [tilespmem:s21+$0xB0]  }
0x88: {  	v60 =	vld [tilespmem:s21+$0xE0];
	v0 =	vadd.f32 v3, v0;
	v1 =	vadd.f32 v56, v1  }
0x89: {  	v3 =	vld [tilespmem:s21+$0xD0]  }
0x8a: {  	v61 =	vld [tilespmem:s21+$0xF0];
	v0 =	vadd.f32 v57, v0;
	v1 =	vadd.f32 v58, v1  }
0x8b: {  	v62 =	vld [tilespmem:s21+$0x100]  }
0x8c: {  	v63 =	vld [tilespmem:s21+$0x120];
	v0 =	vadd.f32 v2, v0;
	v1 =	vadd.f32 v59, v1  }
0x8d: {  	v2 =	vld [tilespmem:s21+$0x110]  }
0x8e: {  	v0 =	vadd.f32 v3, v0;
	v1 =	vadd.f32 v60, v1  }
0x8f: {  	v3 =	vld [tilespmem:s21+$0x130]  }
0x90: {  	v0 =	vadd.f32 v61, v0;
	v1 =	vadd.f32 v62, v1;
	_ =	sdelay $0x1  }
0x91: {  	v0 =	vadd.f32 v2, v0;
	v1 =	vadd.f32 v63, v1  }
0x92: {  	s24 =	simm.s32 $0x0  }
0x93: {  	s23 =	simm.s32 $0x80;
	v0 =	vadd.f32 v3, v0;
	[tilespmem:s24+$0x14A00] =	vst v1  }
.LBB2_3:
0x94: {  	p1 =	sne.s32 s23, $0x1F80  }
0x95: {  	[tilespmem:s24+$0x14A10] =	vst v0;
	s21 =	sadd.s32 $0x280, s21;
	s24 =	smov.u32 s23;
	s23 =	sadd.s32 $0x80, s23  }
0x96: {  	v0 =	vld [tilespmem:s21+$0xFFFFFEF0]  }
0x97: {  	v1 =	vld [tilespmem:s21+$0xFFFFFEC0]  }
0x98: {  	v2 =	vld [tilespmem:s21+$0xFFFFFEE0]  }
0x99: {  	v3 =	vld [tilespmem:s21+$0xFFFFFED0]  }
0x9a: {  	v4 =	vld [tilespmem:s21+$0xFFFFFF00]  }
0x9b: {  	v5 =	vld [tilespmem:s21+$0xFFFFFF10]  }
0x9c: {  	v6 =	vld [tilespmem:s21+$0xFFFFFF20]  }
0x9d: {  	v1 =	vadd.f32 v2, v1;
	v2 =	vld [tilespmem:s21+$0xFFFFFF30]  }
0x9e: {  	v0 =	vadd.f32 v0, v3;
	v3 =	vld [tilespmem:s21+$0xFFFFFF40]  }
0x9f: {  	v1 =	vadd.f32 v4, v1;
	v4 =	vld [tilespmem:s21+$0xFFFFFF50]  }
0xa0: {  	v0 =	vadd.f32 v5, v0;
	v5 =	vld [tilespmem:s21+$0xFFFFFF60]  }
0xa1: {  	v1 =	vadd.f32 v6, v1;
	v6 =	vld [tilespmem:s21+$0xFFFFFF70]  }
0xa2: {  	v0 =	vadd.f32 v2, v0;
	v2 =	vld [tilespmem:s21+$0xFFFFFF80]  }
0xa3: {  	v1 =	vadd.f32 v3, v1;
	v3 =	vld [tilespmem:s21+$0xFFFFFF90]  }
0xa4: {  	v0 =	vadd.f32 v4, v0;
	v4 =	vld [tilespmem:s21+$0xFFFFFFA0]  }
0xa5: {  	v1 =	vadd.f32 v5, v1;
	v5 =	vld [tilespmem:s21+$0xFFFFFFB0]  }
0xa6: {  	v0 =	vadd.f32 v6, v0;
	v6 =	vld [tilespmem:s21+$0xFFFFFFC0]  }
0xa7: {  	v1 =	vadd.f32 v2, v1;
	v2 =	vld [tilespmem:s21+$0xFFFFFFD0]  }
0xa8: {  	v0 =	vadd.f32 v3, v0;
	v3 =	vld [tilespmem:s21+$0xFFFFFFE0]  }
0xa9: {  	v1 =	vadd.f32 v4, v1;
	v4 =	vld [tilespmem:s21+$0xFFFFFFF0]  }
0xaa: {  	v0 =	vadd.f32 v5, v0;
	v5 =	vld [tilespmem:s21+$0x0]  }
0xab: {  	v1 =	vadd.f32 v6, v1;
	v6 =	vld [tilespmem:s21+$0x10]  }
0xac: {  	v0 =	vadd.f32 v2, v0;
	v2 =	vld [tilespmem:s21+$0x20]  }
0xad: {  	v1 =	vadd.f32 v3, v1;
	v3 =	vld [tilespmem:s21+$0x30]  }
0xae: {  	v0 =	vadd.f32 v4, v0;
	v4 =	vld [tilespmem:s21+$0x40]  }
0xaf: {  	v1 =	vadd.f32 v5, v1;
	v5 =	vld [tilespmem:s21+$0x50]  }
0xb0: {  	v0 =	vadd.f32 v6, v0;
	v6 =	vld [tilespmem:s21+$0x60]  }
0xb1: {  	v1 =	vadd.f32 v2, v1;
	v2 =	vld [tilespmem:s21+$0x70]  }
0xb2: {  	v0 =	vadd.f32 v3, v0;
	v3 =	vld [tilespmem:s21+$0x80]  }
0xb3: {  	v1 =	vadd.f32 v4, v1;
	v4 =	vld [tilespmem:s21+$0x90]  }
0xb4: {  	v0 =	vadd.f32 v5, v0;
	v5 =	vld [tilespmem:s21+$0xA0]  }
0xb5: {  	v1 =	vadd.f32 v6, v1;
	v6 =	vld [tilespmem:s21+$0xB0]  }
0xb6: {  	v0 =	vadd.f32 v2, v0;
	v2 =	vld [tilespmem:s21+$0xC0]  }
0xb7: {  	v1 =	vadd.f32 v3, v1;
	v3 =	vld [tilespmem:s21+$0xD0]  }
0xb8: {  	v0 =	vadd.f32 v4, v0;
	v4 =	vld [tilespmem:s21+$0xE0]  }
0xb9: {  	v1 =	vadd.f32 v5, v1;
	v5 =	vld [tilespmem:s21+$0xF0]  }
0xba: {  	v0 =	vadd.f32 v6, v0;
	v6 =	vld [tilespmem:s21+$0x100]  }
0xbb: {  	v1 =	vadd.f32 v2, v1;
	v2 =	vld [tilespmem:s21+$0x110]  }
0xbc: {  	v0 =	vadd.f32 v3, v0;
	v3 =	vld [tilespmem:s21+$0x120]  }
0xbd: {  	v1 =	vadd.f32 v4, v1;
	v4 =	vld [tilespmem:s21+$0x130]  }
0xbe: {  	v0 =	vadd.f32 v5, v0  }
.Ltmp0:
0xbf: {  	v1 =	vadd.f32 v6, v1;
	(pc) =	sbr.rel @p1 .LBB2_3-.Ltmp0, $4  }
0xc0: {  	v0 =	vadd.f32 v2, v0  }
0xc1: {  	v1 =	vadd.f32 v3, v1  }
0xc2: {  	s24 =	sshra.s32 s24, $0x2;
	v0 =	vadd.f32 v4, v0  }
0xc3: {  	[tilespmem:s24+$0x14A00] =	vst v1  }
0xc4: {  	s21 =	sshll.u32 s20, $0x5  }
0xc5: {  	s23 =	sor.u32 s6, s21  }
0xc6: {  	s23 =	sshrl.u32 s23, $0x3  }
0xc7: {  	[tilespmem:s24+$0x14A10] =	vst v0;
	s23 =	sadd.s32 s2, s23  }
0xc8: {  	[hbm4b:s23+s3] =	stream.strided.scatter [tilespmem:s16], [sflag:$0x5], $0x800, s12, s3, $0x38;
	[tilespmem:$0x15A00] =	vst v63  }
0xc9: {  	_ =	swait.ge [sflag:s17], $0x1000  }
0xca: {  	[sflag:s17] =	ssyncset.done $0x0  }
0xcb: {  	[sflag:s17] =	ssyncadd.s32 $0xFFFFF000  }
0xcc: {  	_ =	swait.ge [sflag:s17], $0x1000  }
0xcd: {  	[sflag:s17] =	ssyncset.done $0x0  }
0xce: {  	[sflag:s17] =	ssyncadd.s32 $0xFFFFF000  }
0xcf: {  	_ =	swait.ge [sflag:s17], $0x1000  }
0xd0: {  	[sflag:s17] =	ssyncset.done $0x0  }
0xd1: {  	[sflag:s17] =	ssyncadd.s32 $0xFFFFF000  }
0xd2: {  	_ =	swait.ge [sflag:s17], $0x1000  }
0xd3: {  	[sflag:s17] =	ssyncset.done $0x0  }
0xd4: {  	[sflag:s17] =	ssyncadd.s32 $0xFFFFF000  }
0xd5: {  	_ =	swait.ge [sflag:s17], $0x1000  }
0xd6: {  	[sflag:s17] =	ssyncset.done $0x0  }
0xd7: {  	[sflag:s17] =	ssyncadd.s32 $0xFFFFF000  }
0xd8: {  	_ =	swait.ge [sflag:s17], $0x1000  }
0xd9: {  	[sflag:s17] =	ssyncset.done $0x0  }
0xda: {  	[sflag:s17] =	ssyncadd.s32 $0xFFFFF000  }
0xdb: {  	_ =	swait.ge [sflag:s17], $0x1000  }
0xdc: {  	[sflag:s17] =	ssyncset.done $0x0  }
0xdd: {  	[sflag:s17] =	ssyncadd.s32 $0xFFFFF000  }
0xde: {  	_ =	swait.ge [sflag:s17], $0x1000  }
0xdf: {  	[sflag:s17] =	ssyncset.done $0x0  }
0xe0: {  	[sflag:s17] =	ssyncadd.s32 $0xFFFFF000  }
0xe1: {  	_ =	swait.ge [sflag:s17], $0x1000  }
0xe2: {  	s22 =	smul.u32 @!p0 $0x500, s22;
	[sflag:s17] =	ssyncset.done $0x0  }
0xe3: {  	[sflag:s17] =	ssyncadd.s32 $0xFFFFF000  }
0xe4: {  	s22 =	sshrl.u32 @!p0 s22, $0x3;
	_ =	swait.ge [sflag:s17], $0x1000  }
0xe5: {  	s24 =	simm.s32 @!p0 $0x500;
	s22 =	sadd.s32 @!p0 s4, s22;
	[sflag:s17] =	ssyncset.done $0x0  }
0xe6: {  	s22 =	sadd.s32 @!p0 $0xA0, s22;
	s23 =	simm.s32 @!p0 $0x0;
	[sflag:s17] =	ssyncadd.s32 $0xFFFFF000  }
0xe7: {  	[tilespmem:s24], [sflag:$0x2] =	stream.linear.gather @!p0 [hbm4b:s22+s23], $0x500, $0x38;
	[tilespmem:$0x15A00] =	vst v63  }
0xe8: {  	s22 =	simm.s32 @!p0 $0x1  }
0xe9: {  	_ =	swait.ge @!p0 [sflag:s22], $0x500  }
0xea: {  	[sflag:s22] =	ssyncset.done @!p0 $0x0  }
0xeb: {  	s24 =	simm.s32 @!p0 $0xA00;
	[sflag:s22] =	ssyncadd.s32 @!p0 $0xFFFFFB00;
	s22 =	simm.s32 @!p0 $0x80  }
0xec: {  	[tilespmem:s24], [sflag:$0x3] =	stream.indirect.gather @!p0 [hbm4b:s5+s22], $0x20, s23, s22, $0xb8;
	[tilespmem:$0x15A00] =	vst v63  }
0xed: {  	s23 =	simm.s32 @!p0 $0x1A00  }
0xee: {  	[tilespmem:s23], [sflag:$0x3] =	stream.indirect.gather @!p0 [hbm4b:s5+s22], $0x20, s22, s22, $0xb8;
	[tilespmem:$0x15A00] =	vst v63  }
0xef: {  	s24 =	simm.s32 @!p0 $0x2A00;
	s23 =	simm.s32 @!p0 $0x100  }
0xf0: {  	[tilespmem:s24], [sflag:$0x3] =	stream.indirect.gather @!p0 [hbm4b:s5+s22], $0x20, s23, s22, $0xb8;
	[tilespmem:$0x15A00] =	vst v63  }
0xf1: {  	s23 =	simm.s32 @!p0 $0x180;
	s24 =	simm.s32 @!p0 $0x3A00  }
0xf2: {  	[tilespmem:s24], [sflag:$0x3] =	stream.indirect.gather @!p0 [hbm4b:s5+s22], $0x20, s23, s22, $0xb8;
	[tilespmem:$0x15A00] =	vst v63  }
0xf3: {  	s23 =	simm.s32 @!p0 $0x200;
	s24 =	simm.s32 @!p0 $0x4A00  }
0xf4: {  	[tilespmem:s24], [sflag:$0x3] =	stream.indirect.gather @!p0 [hbm4b:s5+s22], $0x20, s23, s22, $0xb8;
	[tilespmem:$0x15A00] =	vst v63  }
0xf5: {  	s23 =	simm.s32 @!p0 $0x280;
	s24 =	simm.s32 @!p0 $0x5A00  }
0xf6: {  	[tilespmem:s24], [sflag:$0x3] =	stream.indirect.gather @!p0 [hbm4b:s5+s22], $0x20, s23, s22, $0xb8;
	[tilespmem:$0x15A00] =	vst v63  }
0xf7: {  	s23 =	simm.s32 @!p0 $0x300;
	s24 =	simm.s32 @!p0 $0x6A00  }
0xf8: {  	[tilespmem:s24], [sflag:$0x3] =	stream.indirect.gather @!p0 [hbm4b:s5+s22], $0x20, s23, s22, $0xb8;
	[tilespmem:$0x15A00] =	vst v63  }
0xf9: {  	s23 =	simm.s32 @!p0 $0x380;
	s24 =	simm.s32 @!p0 $0x7A00  }
0xfa: {  	[tilespmem:s24], [sflag:$0x3] =	stream.indirect.gather @!p0 [hbm4b:s5+s22], $0x20, s23, s22, $0xb8;
	[tilespmem:$0x15A00] =	vst v63  }
0xfb: {  	s23 =	simm.s32 @!p0 $0x400;
	s24 =	simm.s32 @!p0 $0x8A00  }
0xfc: {  	[tilespmem:s24], [sflag:$0x3] =	stream.indirect.gather @!p0 [hbm4b:s5+s22], $0x20, s23, s22, $0xb8;
	[tilespmem:$0x15A00] =	vst v63  }
0xfd: {  	p1 =	seq.s32 @!p0 s20, $0x0;
	s23 =	simm.s32 @!p0 $0x480;
	s24 =	simm.s32 @!p0 $0x9A00  }
0xfe: {  	[tilespmem:s24], [sflag:$0x3] =	stream.indirect.gather @!p0 [hbm4b:s5+s22], $0x20, s23, s22, $0xb8;
	[tilespmem:$0x15A00] =	vst v63  }
0xff: {  	p0 =	por p0, !p1  }
0x100: {  	_ =	swait.ge @p0 [sflag:s19], $0x800  }
0x101: {  	[sflag:s19] =	ssyncset.done @p0 $0x0  }
0x102: {  	s22 =	simm.s32 $0xAB40;
	[sflag:s19] =	ssyncadd.s32 @p0 $0xFFFFF800  }
0x103: {  	v0 =	vld [tilespmem:s22+$0xFFFFFEF0]  }
0x104: {  	v1 =	vld [tilespmem:s22+$0xFFFFFEC0]  }
0x105: {  	v2 =	vld [tilespmem:s22+$0xFFFFFEE0]  }
0x106: {  	v3 =	vld [tilespmem:s22+$0xFFFFFED0]  }
0x107: {  	v4 =	vld [tilespmem:s22+$0xFFFFFF00]  }
0x108: {  	v5 =	vld [tilespmem:s22+$0xFFFFFF10]  }
0x109: {  	v6 =	vld [tilespmem:s22+$0xFFFFFF20]  }
0x10a: {  	v7 =	vld [tilespmem:s22+$0xFFFFFF40];
	v1 =	vadd.f32 v2, v1  }
0x10b: {  	v2 =	vld [tilespmem:s22+$0xFFFFFF30]  }
0x10c: {  	v44 =	vld [tilespmem:s22+$0xFFFFFF60];
	v0 =	vadd.f32 v0, v3;
	v1 =	vadd.f32 v4, v1  }
0x10d: {  	v3 =	vld [tilespmem:s22+$0xFFFFFF50]  }
0x10e: {  	v45 =	vld [tilespmem:s22+$0xFFFFFF70];
	v0 =	vadd.f32 v5, v0;
	v1 =	vadd.f32 v6, v1  }
0x10f: {  	v46 =	vld [tilespmem:s22+$0xFFFFFF80]  }
0x110: {  	v47 =	vld [tilespmem:s22+$0xFFFFFFA0];
	v0 =	vadd.f32 v2, v0;
	v1 =	vadd.f32 v7, v1  }
0x111: {  	v2 =	vld [tilespmem:s22+$0xFFFFFF90]  }
0x112: {  	v48 =	vld [tilespmem:s22+$0xFFFFFFC0];
	v0 =	vadd.f32 v3, v0;
	v1 =	vadd.f32 v44, v1  }
0x113: {  	v3 =	vld [tilespmem:s22+$0xFFFFFFB0]  }
0x114: {  	v49 =	vld [tilespmem:s22+$0xFFFFFFD0];
	v0 =	vadd.f32 v45, v0;
	v1 =	vadd.f32 v46, v1  }
0x115: {  	v50 =	vld [tilespmem:s22+$0xFFFFFFE0]  }
0x116: {  	v51 =	vld [tilespmem:s22+$0x0];
	v0 =	vadd.f32 v2, v0;
	v1 =	vadd.f32 v47, v1  }
0x117: {  	v2 =	vld [tilespmem:s22+$0xFFFFFFF0]  }
0x118: {  	v52 =	vld [tilespmem:s22+$0x20];
	v0 =	vadd.f32 v3, v0;
	v1 =	vadd.f32 v48, v1  }
0x119: {  	v3 =	vld [tilespmem:s22+$0x10]  }
0x11a: {  	v53 =	vld [tilespmem:s22+$0x30];
	v0 =	vadd.f32 v49, v0;
	v1 =	vadd.f32 v50, v1  }
0x11b: {  	v54 =	vld [tilespmem:s22+$0x40]  }
0x11c: {  	v55 =	vld [tilespmem:s22+$0x60];
	v0 =	vadd.f32 v2, v0;
	v1 =	vadd.f32 v51, v1  }
0x11d: {  	v2 =	vld [tilespmem:s22+$0x50]  }
0x11e: {  	v56 =	vld [tilespmem:s22+$0x80];
	v0 =	vadd.f32 v3, v0;
	v1 =	vadd.f32 v52, v1  }
0x11f: {  	v3 =	vld [tilespmem:s22+$0x70]  }
0x120: {  	v57 =	vld [tilespmem:s22+$0x90];
	v0 =	vadd.f32 v53, v0;
	v1 =	vadd.f32 v54, v1  }
0x121: {  	v58 =	vld [tilespmem:s22+$0xA0]  }
0x122: {  	v59 =	vld [tilespmem:s22+$0xC0];
	v0 =	vadd.f32 v2, v0;
	v1 =	vadd.f32 v55, v1  }
0x123: {  	v2 =	vld [tilespmem:s22+$0xB0]  }
0x124: {  	v60 =	vld [tilespmem:s22+$0xE0];
	v0 =	vadd.f32 v3, v0;
	v1 =	vadd.f32 v56, v1  }
0x125: {  	v3 =	vld [tilespmem:s22+$0xD0]  }
0x126: {  	v61 =	vld [tilespmem:s22+$0xF0];
	v0 =	vadd.f32 v57, v0;
	v1 =	vadd.f32 v58, v1  }
0x127: {  	v62 =	vld [tilespmem:s22+$0x100]  }
0x128: {  	v63 =	vld [tilespmem:s22+$0x120];
	v0 =	vadd.f32 v2, v0;
	v1 =	vadd.f32 v59, v1  }
0x129: {  	v2 =	vld [tilespmem:s22+$0x110]  }
0x12a: {  	v0 =	vadd.f32 v3, v0;
	v1 =	vadd.f32 v60, v1  }
0x12b: {  	v3 =	vld [tilespmem:s22+$0x130]  }
0x12c: {  	v0 =	vadd.f32 v61, v0;
	v1 =	vadd.f32 v62, v1;
	_ =	sdelay $0x1  }
0x12d: {  	v0 =	vadd.f32 v2, v0;
	v1 =	vadd.f32 v63, v1  }
0x12e: {  	s24 =	simm.s32 $0x0  }
0x12f: {  	s23 =	simm.s32 $0x80;
	v0 =	vadd.f32 v3, v0;
	[tilespmem:s24+$0x15200] =	vst v1  }
.LBB2_5:
0x130: {  	p0 =	sne.s32 s23, $0x1F80  }
0x131: {  	[tilespmem:s24+$0x15210] =	vst v0;
	s22 =	sadd.s32 $0x280, s22;
	s24 =	smov.u32 s23;
	s23 =	sadd.s32 $0x80, s23  }
0x132: {  	v0 =	vld [tilespmem:s22+$0xFFFFFEF0]  }
0x133: {  	v1 =	vld [tilespmem:s22+$0xFFFFFEC0]  }
0x134: {  	v2 =	vld [tilespmem:s22+$0xFFFFFEE0]  }
0x135: {  	v3 =	vld [tilespmem:s22+$0xFFFFFED0]  }
0x136: {  	v4 =	vld [tilespmem:s22+$0xFFFFFF00]  }
0x137: {  	v5 =	vld [tilespmem:s22+$0xFFFFFF10]  }
0x138: {  	v6 =	vld [tilespmem:s22+$0xFFFFFF20]  }
0x139: {  	v1 =	vadd.f32 v2, v1;
	v2 =	vld [tilespmem:s22+$0xFFFFFF30]  }
0x13a: {  	v0 =	vadd.f32 v0, v3;
	v3 =	vld [tilespmem:s22+$0xFFFFFF40]  }
0x13b: {  	v1 =	vadd.f32 v4, v1;
	v4 =	vld [tilespmem:s22+$0xFFFFFF50]  }
0x13c: {  	v0 =	vadd.f32 v5, v0;
	v5 =	vld [tilespmem:s22+$0xFFFFFF60]  }
0x13d: {  	v1 =	vadd.f32 v6, v1;
	v6 =	vld [tilespmem:s22+$0xFFFFFF70]  }
0x13e: {  	v0 =	vadd.f32 v2, v0;
	v2 =	vld [tilespmem:s22+$0xFFFFFF80]  }
0x13f: {  	v1 =	vadd.f32 v3, v1;
	v3 =	vld [tilespmem:s22+$0xFFFFFF90]  }
0x140: {  	v0 =	vadd.f32 v4, v0;
	v4 =	vld [tilespmem:s22+$0xFFFFFFA0]  }
0x141: {  	v1 =	vadd.f32 v5, v1;
	v5 =	vld [tilespmem:s22+$0xFFFFFFB0]  }
0x142: {  	v0 =	vadd.f32 v6, v0;
	v6 =	vld [tilespmem:s22+$0xFFFFFFC0]  }
0x143: {  	v1 =	vadd.f32 v2, v1;
	v2 =	vld [tilespmem:s22+$0xFFFFFFD0]  }
0x144: {  	v0 =	vadd.f32 v3, v0;
	v3 =	vld [tilespmem:s22+$0xFFFFFFE0]  }
0x145: {  	v1 =	vadd.f32 v4, v1;
	v4 =	vld [tilespmem:s22+$0xFFFFFFF0]  }
0x146: {  	v0 =	vadd.f32 v5, v0;
	v5 =	vld [tilespmem:s22+$0x0]  }
0x147: {  	v1 =	vadd.f32 v6, v1;
	v6 =	vld [tilespmem:s22+$0x10]  }
0x148: {  	v0 =	vadd.f32 v2, v0;
	v2 =	vld [tilespmem:s22+$0x20]  }
0x149: {  	v1 =	vadd.f32 v3, v1;
	v3 =	vld [tilespmem:s22+$0x30]  }
0x14a: {  	v0 =	vadd.f32 v4, v0;
	v4 =	vld [tilespmem:s22+$0x40]  }
0x14b: {  	v1 =	vadd.f32 v5, v1;
	v5 =	vld [tilespmem:s22+$0x50]  }
0x14c: {  	v0 =	vadd.f32 v6, v0;
	v6 =	vld [tilespmem:s22+$0x60]  }
0x14d: {  	v1 =	vadd.f32 v2, v1;
	v2 =	vld [tilespmem:s22+$0x70]  }
0x14e: {  	v0 =	vadd.f32 v3, v0;
	v3 =	vld [tilespmem:s22+$0x80]  }
0x14f: {  	v1 =	vadd.f32 v4, v1;
	v4 =	vld [tilespmem:s22+$0x90]  }
0x150: {  	v0 =	vadd.f32 v5, v0;
	v5 =	vld [tilespmem:s22+$0xA0]  }
0x151: {  	v1 =	vadd.f32 v6, v1;
	v6 =	vld [tilespmem:s22+$0xB0]  }
0x152: {  	v0 =	vadd.f32 v2, v0;
	v2 =	vld [tilespmem:s22+$0xC0]  }
0x153: {  	v1 =	vadd.f32 v3, v1;
	v3 =	vld [tilespmem:s22+$0xD0]  }
0x154: {  	v0 =	vadd.f32 v4, v0;
	v4 =	vld [tilespmem:s22+$0xE0]  }
0x155: {  	v1 =	vadd.f32 v5, v1;
	v5 =	vld [tilespmem:s22+$0xF0]  }
0x156: {  	v0 =	vadd.f32 v6, v0;
	v6 =	vld [tilespmem:s22+$0x100]  }
0x157: {  	v1 =	vadd.f32 v2, v1;
	v2 =	vld [tilespmem:s22+$0x110]  }
0x158: {  	v0 =	vadd.f32 v3, v0;
	v3 =	vld [tilespmem:s22+$0x120]  }
0x159: {  	v1 =	vadd.f32 v4, v1;
	v4 =	vld [tilespmem:s22+$0x130]  }
0x15a: {  	v0 =	vadd.f32 v5, v0  }
.Ltmp1:
0x15b: {  	v1 =	vadd.f32 v6, v1;
	(pc) =	sbr.rel @p0 .LBB2_5-.Ltmp1, $4  }
0x15c: {  	v0 =	vadd.f32 v2, v0  }
0x15d: {  	v1 =	vadd.f32 v3, v1  }
0x15e: {  	s24 =	sshra.s32 s24, $0x2;
	v0 =	vadd.f32 v4, v0  }
0x15f: {  	[tilespmem:s24+$0x15200] =	vst v1  }
0x160: {  	s20 =	sadd.s32 $0x1, s20  }
0x161: {  	p0 =	sne.s32 s20, $0xD  }
.Ltmp2:
0x162: {  	_ = 	snop;
	(pc) =	sbr.rel @p0 .LBB2_2-.Ltmp2, $4  }
0x163: {  	s21 =	sadd.s32 s10, s21  }
0x164: {  	s21 =	sshrl.u32 s21, $0x3  }
0x165: {  	[tilespmem:s24+$0x15210] =	vst v0;
	s21 =	sadd.s32 s2, s21  }
0x166: {  	[hbm4b:s21+s3] =	stream.strided.scatter [tilespmem:s18], [sflag:$0x6], $0x800, s12, s3, $0x38;
	[tilespmem:$0x15A00] =	vst v63  }
0x167: {  	s20 =	simm.s32 $0x5  }
0x168: {  	_ =	swait.ge [sflag:s20], $0x800  }
0x169: {  	[sflag:s20] =	ssyncset.done $0x0  }
0x16a: {  	[sflag:s20] =	ssyncadd.s32 $0xFFFFF800  }
0x16b: {  	_ =	swait.ge [sflag:s19], $0x800  }
0x16c: {  	s21 =	rddreg [dreg:$0x6]  }
0x16d: {  	s24 =	rddreg [dreg:$0x5];
	s21 =	sadd.s32 $0x1, s21  }
0x16e: {  	p0 =	sne.s32 s21, s24  }
.Ltmp3:
0x16f: {  	_ = 	snop;
	(pc) =	sbr.rel @p0 .LBB2_1-.Ltmp3, $3  }
0x170: {  	_ =	sdelay $0x1  }
0x171: {  	[sflag:s19] =	ssyncset.done $0x0  }
0x172: {  	[sflag:s19] =	ssyncadd.s32 $0xFFFFF800  }
0x173: {  	_ =	sfence.sel $0x180000  }
0x174: {  	[bflag:$0x0] =	sbarrier.arrive $0xFFFF  }
0x175: {  	_ =	strace $0x90000047  }
0x176: {  	s0 =	stileid.u32;
	[bflag:$0x2] =	sbarrier.arrive $0xFFFF  }
0x177: {  	p0 =	sne.s32 s0, $0x0;
	s0 =	rddreg [dreg:$0x2]  }
0x178: {  	s0 =	sadd.s32 @!p0 $0x100000, s0  }
0x179: {  	[sflag:s0] =	ssyncadd.tile.s32 @!p0 $0x1;
	_ =	shalt  }
.Lfunc_end2:
_tile_overlayer_lowered:
.L_overlay_start_2:
0x17a: {  	(tag) =	ssettag $0x2  }
0x17b: {  	s0 =	rddreg [dreg:$0x0];
	s2 =	stileid.u32  }
0x17c: {  	s1 =	rddreg [dreg:$0x1];
	p0 =	sne.s32 s2, $0x0  }
0x17d: {  	s3 =	rddreg [dreg:$0x2];
	[bflag:$0x3] =	sbarrier.arrive $0xFFFF;
	s2 =	simm.s32 @!p0 $0x1C07  }
0x17e: {  	[timem:s3], [sflag:s2] =	dma.local @!p0 [hbm:s0], s1  }
0x17f: {  	s0 =	simm.s32 @!p0 $0x7  }
0x180: {  	_ =	swait.ge @!p0 [sflag:s0], s1  }
0x181: {  	s1 =	ssub.s32 @!p0 $0x0, s1;
	[sflag:s0] =	ssyncset.done @!p0 $0x0  }
0x182: {  	[sflag:s0] =	ssyncadd.s32 @!p0 s1  }
0x183: {  	[bflag:$0x3] =	sbarrier.arrive $0xFFFF  }
0x184: {  	_ =	shalt  }

</sc_bundles>
